<compile_context>
chip_gen: v7x
topology: tpu7x:2x2x1
jax: 0.10.2.dev20260603
libtpu: 0.0.44.dev20260713+nightly
codegen_flags: <defaults>
</compile_context>

<pallas_src>
import functools

import jax
import jax.numpy as jnp
from jax import lax
from jax.experimental import pallas as pl
from jax.experimental.pallas import tpu as pltpu
from jax.experimental.pallas import tpu_sc as plsc

_B = 16384
_NUM_T = 1000
_NUM_L = 16
_N_AZ = 360
_N_EL = 100
_EL_START = -10

_OFF_T = 0
_OFF_U = _OFF_T + _NUM_T
_OFF_A = _OFF_U + _NUM_L
_OFF_E = _OFF_A + _N_AZ
_TAB_PAD = 1480

_INFO = plsc.get_sparse_core_info()
_NC = _INFO.num_cores
_NS = _INFO.num_subcores
_L = _INFO.num_lanes
_NW = _NC * _NS
_BPW = _B // _NW
_CHUNKS = _BPW // _L
_HALF = _CHUNKS // 2

_mesh = plsc.VectorSubcoreMesh(core_axis_name="c", subcore_axis_name="s")


@functools.partial(
    pl.kernel,
    mesh=_mesh,
    out_type=jax.ShapeDtypeStruct((_B, 4), jnp.float32),
    scratch_types=[
        pltpu.VMEM((_BPW,), jnp.int32),
        pltpu.VMEM((_BPW,), jnp.int32),
        pltpu.VMEM((_BPW,), jnp.int32),
        pltpu.VMEM((_BPW,), jnp.int32),
        pltpu.VMEM((_TAB_PAD,), jnp.float32),
        pltpu.VMEM((_BPW, 4), jnp.float32),
        pltpu.SemaphoreType.DMA,
        pltpu.SemaphoreType.DMA,
    ],
    compiler_params=pltpu.CompilerParams(needs_layout_passes=False),
)
def _encode_sc(t_hbm, u_hbm, a_hbm, e_hbm,
               nt_hbm, nu_hbm, na_hbm, ne_hbm,
               out_hbm,
               ti_v, ui_v, ai_v, ei_v, tab_v, out_v, sem, osem):
    wid = lax.axis_index("s") * _NC + lax.axis_index("c")
    base = wid * _BPW

    copies = [
        pltpu.async_copy(nt_hbm, tab_v.at[pl.ds(_OFF_T, _NUM_T)], sem),
        pltpu.async_copy(nu_hbm, tab_v.at[pl.ds(_OFF_U, _NUM_L)], sem),
        pltpu.async_copy(na_hbm, tab_v.at[pl.ds(_OFF_A, _N_AZ)], sem),
        pltpu.async_copy(ne_hbm, tab_v.at[pl.ds(_OFF_E, _N_EL)], sem),
        pltpu.async_copy(t_hbm.at[pl.ds(base, _BPW)], ti_v, sem),
        pltpu.async_copy(u_hbm.at[pl.ds(base, _BPW)], ui_v, sem),
        pltpu.async_copy(a_hbm.at[pl.ds(base, _BPW)], ai_v, sem),
        pltpu.async_copy(e_hbm.at[pl.ds(base, _BPW)], ei_v, sem),
    ]
    for c in copies:
        c.wait()

    iota = lax.iota(jnp.int32, _L)
    cols = [jnp.full((_L,), c, jnp.int32) for c in range(4)]

    def do_chunk(j):
        sl = pl.ds(j * _L, _L)
        it = ti_v[sl]
        iu = ui_v[sl] + _OFF_U
        ia = ai_v[sl] + _OFF_A
        ie = ei_v[sl] + (_OFF_E - _EL_START)
        vt = plsc.load_gather(tab_v, [it])
        vu = plsc.load_gather(tab_v, [iu])
        va = plsc.load_gather(tab_v, [ia])
        ve = plsc.load_gather(tab_v, [ie])
        row = iota + (j * _L)
        plsc.store_scatter(out_v, [row, cols[0]], vt)
        plsc.store_scatter(out_v, [row, cols[1]], vu)
        plsc.store_scatter(out_v, [row, cols[2]], va)
        plsc.store_scatter(out_v, [row, cols[3]], ve)

    for j in range(_HALF):
        do_chunk(j)
    half_rows = _HALF * _L
    out1 = pltpu.async_copy(
        out_v.at[pl.ds(0, half_rows)],
        out_hbm.at[pl.ds(base, half_rows)], osem)
    for j in range(_HALF, _CHUNKS):
        do_chunk(j)
    out2 = pltpu.async_copy(
        out_v.at[pl.ds(half_rows, half_rows)],
        out_hbm.at[pl.ds(base + half_rows, half_rows)], osem)
    out1.wait()
    out2.wait()


def kernel(timestep, unet_layer, azimuth, elevation,
           normalized_timesteps, normalized_unet_layers,
           normalized_azimuth, normalized_elevation):
    return _encode_sc(timestep, unet_layer, azimuth, elevation,
                      normalized_timesteps, normalized_unet_layers,
                      normalized_azimuth, normalized_elevation)

# --- scband reference (transcript-rebuilt; emitter-appended) ---
"""Pipeline reference for scband-basic-encoder-with-vps-57707180589401 (READ-ONLY COPY).

The authoritative reference and input builder live on the scoring server;
editing this copy changes nothing except your own understanding.
"""

import jax, jax.numpy as jnp
import numpy as np

NUM_T = 1000
NUM_L = 16
AZ_START, AZ_STOP = 0, 360
EL_START, EL_STOP = -10, 90
B = 16384


def setup_inputs(seed: int = 0) -> dict:
    key = jax.random.key(seed)
    k1, k2, k3, k4 = jax.random.split(key, 4)
    timestep = jax.random.randint(k1, (B,), 0, NUM_T, dtype=jnp.int32)
    unet_layer = jax.random.randint(k2, (B,), 0, NUM_L, dtype=jnp.int32)
    azimuth = jax.random.randint(k3, (B,), 0, AZ_STOP, dtype=jnp.int32)
    # elevation values are in the valid physical range [-10, 90); we sample [0, 90) for safety
    elevation = jax.random.randint(k4, (B,), 0, EL_STOP, dtype=jnp.int32)

    n_az = AZ_STOP - AZ_START
    n_el = EL_STOP - EL_START
    normalized_timesteps = (jnp.arange(NUM_T, dtype=jnp.float32) / (NUM_T - 1)) * 2 - 1
    normalized_unet_layers = (jnp.arange(NUM_L, dtype=jnp.float32) / (NUM_L - 1)) * 2 - 1
    normalized_azimuth = (jnp.arange(n_az, dtype=jnp.float32) / (n_az - 1)) * 2 - 1
    normalized_elevation = (jnp.arange(n_el, dtype=jnp.float32) / (n_el - 1)) * 2 - 1

    return {
        "timestep": timestep,
        "unet_layer": unet_layer,
        "azimuth": azimuth,
        "elevation": elevation,
        "normalized_timesteps": normalized_timesteps,
        "normalized_unet_layers": normalized_unet_layers,
        "normalized_azimuth": normalized_azimuth,
        "normalized_elevation": normalized_elevation,
    }


def reference(timestep, unet_layer, azimuth, elevation,
              normalized_timesteps, normalized_unet_layers,
              normalized_azimuth, normalized_elevation):
    # Faithful translation of BasicEncoderWithVPs.encode (range validation is a
    # host-side check on values, not part of the tensor computation).
    t = jnp.take(normalized_timesteps, timestep, axis=0)
    u = jnp.take(normalized_unet_layers, unet_layer, axis=0)
    a = jnp.take(normalized_azimuth, azimuth - AZ_START, axis=0)
    e = jnp.take(normalized_elevation, elevation - EL_START, axis=0)
    normalized_input = jnp.stack([t, u, a, e]).T  # [B, 4]
    return normalized_input

if __name__ == "__main__":
    import jax
    _d = setup_inputs()
    print(jax.jit(kernel)(*tuple(_d.values())))

</pallas_src>

<mosaic_0001>
#map = affine_map<(d0, d1) -> (0)>
#map1 = affine_map<(d0, d1) -> (0, 0)>
module attributes {stable_mosaic.version = 14 : i64} {
  func.func @_encode_sc(%arg0: i32, %arg1: i32, %arg2: memref<16384xi32, #tpu.memory_space<hbm>>, %arg3: memref<16384xi32, #tpu.memory_space<hbm>>, %arg4: memref<16384xi32, #tpu.memory_space<hbm>>, %arg5: memref<16384xi32, #tpu.memory_space<hbm>>, %arg6: memref<1000xf32, #tpu.memory_space<hbm>>, %arg7: memref<16xf32, #tpu.memory_space<hbm>>, %arg8: memref<360xf32, #tpu.memory_space<hbm>>, %arg9: memref<100xf32, #tpu.memory_space<hbm>>, %arg10: memref<16384x4xf32, #tpu.memory_space<hbm>>, %arg11: memref<512xi32, #tpu.memory_space<vmem>>, %arg12: memref<512xi32, #tpu.memory_space<vmem>>, %arg13: memref<512xi32, #tpu.memory_space<vmem>>, %arg14: memref<512xi32, #tpu.memory_space<vmem>>, %arg15: memref<1480xf32, #tpu.memory_space<vmem>>, %arg16: memref<512x4xf32, #tpu.memory_space<vmem>>, %arg17: memref<!tpu.dma_semaphore, #tpu.memory_space<semaphore_mem>>, %arg18: memref<!tpu.dma_semaphore, #tpu.memory_space<semaphore_mem>>) attributes {dimension_semantics = [#tpu.dimension_semantics<core_parallel>, #tpu.dimension_semantics<subcore_parallel>], iteration_bounds = array<i64: 2, 16>, scalar_prefetch = 0 : i64, scratch_operands = 8 : i64, tpu.core_type = #tpu.core_type<sc_vector_subcore>, window_params = [{transform_indices = #map}, {transform_indices = #map}, {transform_indices = #map}, {transform_indices = #map}, {transform_indices = #map}, {transform_indices = #map}, {transform_indices = #map}, {transform_indices = #map}, {transform_indices = #map1}]} {
    %mul3A = arith.constant 2 : i32
    %mul3A_0 = arith.muli %arg1, %mul3A : i32
    %add3A = arith.addi %mul3A_0, %arg0 : i32
    %mul3A_1 = arith.constant 512 : i32
    %mul3A_2 = arith.muli %add3A, %mul3A_1 : i32
    %dma_start3A = arith.constant 0 : i32
    %dma_start3A_3 = tpu.memref_slice %arg15[%dma_start3A] : memref<1480xf32, #tpu.memory_space<vmem>> -> memref<1000xf32, #tpu.memory_space<vmem>>
    %dma_start3A_4 = arith.constant 0 : i32
    %dma_start3A_5 = tpu.memref_slice %arg15[%dma_start3A_4] : memref<1480xf32, #tpu.memory_space<vmem>> -> memref<1000xf32, #tpu.memory_space<vmem>>
    tpu.enqueue_dma source(%arg6 : memref<1000xf32, #tpu.memory_space<hbm>>) target(%dma_start3A_5 : memref<1000xf32, #tpu.memory_space<vmem>>) target_semaphore(%arg17 : memref<!tpu.dma_semaphore, #tpu.memory_space<semaphore_mem>>)
    %dma_start3A_6 = arith.constant 1000 : i32
    %dma_start3A_7 = tpu.memref_slice %arg15[%dma_start3A_6] : memref<1480xf32, #tpu.memory_space<vmem>> -> memref<16xf32, #tpu.memory_space<vmem>>
    %dma_start3A_8 = arith.constant 1000 : i32
    %dma_start3A_9 = tpu.memref_slice %arg15[%dma_start3A_8] : memref<1480xf32, #tpu.memory_space<vmem>> -> memref<16xf32, #tpu.memory_space<vmem>>
    tpu.enqueue_dma source(%arg7 : memref<16xf32, #tpu.memory_space<hbm>>) target(%dma_start3A_9 : memref<16xf32, #tpu.memory_space<vmem>>) target_semaphore(%arg17 : memref<!tpu.dma_semaphore, #tpu.memory_space<semaphore_mem>>)
    %dma_start3A_10 = arith.constant 1016 : i32
    %dma_start3A_11 = tpu.memref_slice %arg15[%dma_start3A_10] : memref<1480xf32, #tpu.memory_space<vmem>> -> memref<360xf32, #tpu.memory_space<vmem>>
    %dma_start3A_12 = arith.constant 1016 : i32
    %dma_start3A_13 = tpu.memref_slice %arg15[%dma_start3A_12] : memref<1480xf32, #tpu.memory_space<vmem>> -> memref<360xf32, #tpu.memory_space<vmem>>
    tpu.enqueue_dma source(%arg8 : memref<360xf32, #tpu.memory_space<hbm>>) target(%dma_start3A_13 : memref<360xf32, #tpu.memory_space<vmem>>) target_semaphore(%arg17 : memref<!tpu.dma_semaphore, #tpu.memory_space<semaphore_mem>>)
    %dma_start3A_14 = arith.constant 1376 : i32
    %dma_start3A_15 = tpu.memref_slice %arg15[%dma_start3A_14] : memref<1480xf32, #tpu.memory_space<vmem>> -> memref<100xf32, #tpu.memory_space<vmem>>
    %dma_start3A_16 = arith.constant 1376 : i32
    %dma_start3A_17 = tpu.memref_slice %arg15[%dma_start3A_16] : memref<1480xf32, #tpu.memory_space<vmem>> -> memref<100xf32, #tpu.memory_space<vmem>>
    tpu.enqueue_dma source(%arg9 : memref<100xf32, #tpu.memory_space<hbm>>) target(%dma_start3A_17 : memref<100xf32, #tpu.memory_space<vmem>>) target_semaphore(%arg17 : memref<!tpu.dma_semaphore, #tpu.memory_space<semaphore_mem>>)
    %dma_start3A_18 = tpu.memref_slice %arg2[%mul3A_2] : memref<16384xi32, #tpu.memory_space<hbm>> -> memref<512xi32, #tpu.memory_space<hbm>>
    %dma_start3A_19 = tpu.memref_slice %arg2[%mul3A_2] : memref<16384xi32, #tpu.memory_space<hbm>> -> memref<512xi32, #tpu.memory_space<hbm>>
    tpu.enqueue_dma source(%dma_start3A_19 : memref<512xi32, #tpu.memory_space<hbm>>) target(%arg11 : memref<512xi32, #tpu.memory_space<vmem>>) target_semaphore(%arg17 : memref<!tpu.dma_semaphore, #tpu.memory_space<semaphore_mem>>)
    %dma_start3A_20 = tpu.memref_slice %arg3[%mul3A_2] : memref<16384xi32, #tpu.memory_space<hbm>> -> memref<512xi32, #tpu.memory_space<hbm>>
    %dma_start3A_21 = tpu.memref_slice %arg3[%mul3A_2] : memref<16384xi32, #tpu.memory_space<hbm>> -> memref<512xi32, #tpu.memory_space<hbm>>
    tpu.enqueue_dma source(%dma_start3A_21 : memref<512xi32, #tpu.memory_space<hbm>>) target(%arg12 : memref<512xi32, #tpu.memory_space<vmem>>) target_semaphore(%arg17 : memref<!tpu.dma_semaphore, #tpu.memory_space<semaphore_mem>>)
    %dma_start3A_22 = tpu.memref_slice %arg4[%mul3A_2] : memref<16384xi32, #tpu.memory_space<hbm>> -> memref<512xi32, #tpu.memory_space<hbm>>
    %dma_start3A_23 = tpu.memref_slice %arg4[%mul3A_2] : memref<16384xi32, #tpu.memory_space<hbm>> -> memref<512xi32, #tpu.memory_space<hbm>>
    tpu.enqueue_dma source(%dma_start3A_23 : memref<512xi32, #tpu.memory_space<hbm>>) target(%arg13 : memref<512xi32, #tpu.memory_space<vmem>>) target_semaphore(%arg17 : memref<!tpu.dma_semaphore, #tpu.memory_space<semaphore_mem>>)
    %dma_start3A_24 = tpu.memref_slice %arg5[%mul3A_2] : memref<16384xi32, #tpu.memory_space<hbm>> -> memref<512xi32, #tpu.memory_space<hbm>>
    %dma_start3A_25 = tpu.memref_slice %arg5[%mul3A_2] : memref<16384xi32, #tpu.memory_space<hbm>> -> memref<512xi32, #tpu.memory_space<hbm>>
    tpu.enqueue_dma source(%dma_start3A_25 : memref<512xi32, #tpu.memory_space<hbm>>) target(%arg14 : memref<512xi32, #tpu.memory_space<vmem>>) target_semaphore(%arg17 : memref<!tpu.dma_semaphore, #tpu.memory_space<semaphore_mem>>)
    %dma_wait3A = arith.constant 0 : i32
    %dma_wait3A_26 = tpu.memref_slice %arg15[%dma_wait3A] : memref<1480xf32, #tpu.memory_space<vmem>> -> memref<1000xf32, #tpu.memory_space<vmem>>
    %dma_wait3A_27 = arith.constant 0 : i32
    %dma_wait3A_28 = tpu.memref_slice %arg15[%dma_wait3A_27] : memref<1480xf32, #tpu.memory_space<vmem>> -> memref<1000xf32, #tpu.memory_space<vmem>>
    tpu.wait_dma2 semaphore(%arg17 : memref<!tpu.dma_semaphore, #tpu.memory_space<semaphore_mem>>) src(%arg6 : memref<1000xf32, #tpu.memory_space<hbm>>) dst(%dma_wait3A_28 : memref<1000xf32, #tpu.memory_space<vmem>>)
    %dma_wait3A_29 = arith.constant 1000 : i32
    %dma_wait3A_30 = tpu.memref_slice %arg15[%dma_wait3A_29] : memref<1480xf32, #tpu.memory_space<vmem>> -> memref<16xf32, #tpu.memory_space<vmem>>
    %dma_wait3A_31 = arith.constant 1000 : i32
    %dma_wait3A_32 = tpu.memref_slice %arg15[%dma_wait3A_31] : memref<1480xf32, #tpu.memory_space<vmem>> -> memref<16xf32, #tpu.memory_space<vmem>>
    tpu.wait_dma2 semaphore(%arg17 : memref<!tpu.dma_semaphore, #tpu.memory_space<semaphore_mem>>) src(%arg7 : memref<16xf32, #tpu.memory_space<hbm>>) dst(%dma_wait3A_32 : memref<16xf32, #tpu.memory_space<vmem>>)
    %dma_wait3A_33 = arith.constant 1016 : i32
    %dma_wait3A_34 = tpu.memref_slice %arg15[%dma_wait3A_33] : memref<1480xf32, #tpu.memory_space<vmem>> -> memref<360xf32, #tpu.memory_space<vmem>>
    %dma_wait3A_35 = arith.constant 1016 : i32
    %dma_wait3A_36 = tpu.memref_slice %arg15[%dma_wait3A_35] : memref<1480xf32, #tpu.memory_space<vmem>> -> memref<360xf32, #tpu.memory_space<vmem>>
    tpu.wait_dma2 semaphore(%arg17 : memref<!tpu.dma_semaphore, #tpu.memory_space<semaphore_mem>>) src(%arg8 : memref<360xf32, #tpu.memory_space<hbm>>) dst(%dma_wait3A_36 : memref<360xf32, #tpu.memory_space<vmem>>)
    %dma_wait3A_37 = arith.constant 1376 : i32
    %dma_wait3A_38 = tpu.memref_slice %arg15[%dma_wait3A_37] : memref<1480xf32, #tpu.memory_space<vmem>> -> memref<100xf32, #tpu.memory_space<vmem>>
    %dma_wait3A_39 = arith.constant 1376 : i32
    %dma_wait3A_40 = tpu.memref_slice %arg15[%dma_wait3A_39] : memref<1480xf32, #tpu.memory_space<vmem>> -> memref<100xf32, #tpu.memory_space<vmem>>
    tpu.wait_dma2 semaphore(%arg17 : memref<!tpu.dma_semaphore, #tpu.memory_space<semaphore_mem>>) src(%arg9 : memref<100xf32, #tpu.memory_space<hbm>>) dst(%dma_wait3A_40 : memref<100xf32, #tpu.memory_space<vmem>>)
    %dma_wait3A_41 = tpu.memref_slice %arg2[%mul3A_2] : memref<16384xi32, #tpu.memory_space<hbm>> -> memref<512xi32, #tpu.memory_space<hbm>>
    %dma_wait3A_42 = tpu.memref_slice %arg2[%mul3A_2] : memref<16384xi32, #tpu.memory_space<hbm>> -> memref<512xi32, #tpu.memory_space<hbm>>
    tpu.wait_dma2 semaphore(%arg17 : memref<!tpu.dma_semaphore, #tpu.memory_space<semaphore_mem>>) src(%dma_wait3A_42 : memref<512xi32, #tpu.memory_space<hbm>>) dst(%arg11 : memref<512xi32, #tpu.memory_space<vmem>>)
    %dma_wait3A_43 = tpu.memref_slice %arg3[%mul3A_2] : memref<16384xi32, #tpu.memory_space<hbm>> -> memref<512xi32, #tpu.memory_space<hbm>>
    %dma_wait3A_44 = tpu.memref_slice %arg3[%mul3A_2] : memref<16384xi32, #tpu.memory_space<hbm>> -> memref<512xi32, #tpu.memory_space<hbm>>
    tpu.wait_dma2 semaphore(%arg17 : memref<!tpu.dma_semaphore, #tpu.memory_space<semaphore_mem>>) src(%dma_wait3A_44 : memref<512xi32, #tpu.memory_space<hbm>>) dst(%arg12 : memref<512xi32, #tpu.memory_space<vmem>>)
    %dma_wait3A_45 = tpu.memref_slice %arg4[%mul3A_2] : memref<16384xi32, #tpu.memory_space<hbm>> -> memref<512xi32, #tpu.memory_space<hbm>>
    %dma_wait3A_46 = tpu.memref_slice %arg4[%mul3A_2] : memref<16384xi32, #tpu.memory_space<hbm>> -> memref<512xi32, #tpu.memory_space<hbm>>
    tpu.wait_dma2 semaphore(%arg17 : memref<!tpu.dma_semaphore, #tpu.memory_space<semaphore_mem>>) src(%dma_wait3A_46 : memref<512xi32, #tpu.memory_space<hbm>>) dst(%arg13 : memref<512xi32, #tpu.memory_space<vmem>>)
    %dma_wait3A_47 = tpu.memref_slice %arg5[%mul3A_2] : memref<16384xi32, #tpu.memory_space<hbm>> -> memref<512xi32, #tpu.memory_space<hbm>>
    %dma_wait3A_48 = tpu.memref_slice %arg5[%mul3A_2] : memref<16384xi32, #tpu.memory_space<hbm>> -> memref<512xi32, #tpu.memory_space<hbm>>
    tpu.wait_dma2 semaphore(%arg17 : memref<!tpu.dma_semaphore, #tpu.memory_space<semaphore_mem>>) src(%dma_wait3A_48 : memref<512xi32, #tpu.memory_space<hbm>>) dst(%arg14 : memref<512xi32, #tpu.memory_space<vmem>>)
    %iota3A = tpu.iota {dimensions = array<i32: 0>} : vector<16xi32>
    %broadcast_in_dim3A = arith.constant 0 : i32
    %broadcast_in_dim3A_49 = vector.broadcast %broadcast_in_dim3A : i32 to vector<16xi32>
    %broadcast_in_dim3A_50 = arith.constant 1 : i32
    %broadcast_in_dim3A_51 = vector.broadcast %broadcast_in_dim3A_50 : i32 to vector<16xi32>
    %broadcast_in_dim3A_52 = arith.constant 2 : i32
    %broadcast_in_dim3A_53 = vector.broadcast %broadcast_in_dim3A_52 : i32 to vector<16xi32>
    %broadcast_in_dim3A_54 = arith.constant 3 : i32
    %broadcast_in_dim3A_55 = vector.broadcast %broadcast_in_dim3A_54 : i32 to vector<16xi32>
    %get3A = arith.constant 0 : index
    %get3A_56 = tpu.vector_load %arg11[%get3A] {strides = array<i32>} : memref<512xi32, #tpu.memory_space<vmem>>, vector<16xi32>,
    %get3A_57 = arith.constant 0 : index
    %get3A_58 = tpu.vector_load %arg12[%get3A_57] {strides = array<i32>} : memref<512xi32, #tpu.memory_space<vmem>>, vector<16xi32>,
    %add3A_59 = arith.constant 1000 : i32
    %add3A_60 = vector.broadcast %add3A_59 : i32 to vector<16xi32>
    %add3A_61 = arith.addi %get3A_58, %add3A_60 : vector<16xi32>
    %get3A_62 = arith.constant 0 : index
    %get3A_63 = tpu.vector_load %arg13[%get3A_62] {strides = array<i32>} : memref<512xi32, #tpu.memory_space<vmem>>, vector<16xi32>,
    %add3A_64 = arith.constant 1016 : i32
    %add3A_65 = vector.broadcast %add3A_64 : i32 to vector<16xi32>
    %add3A_66 = arith.addi %get3A_63, %add3A_65 : vector<16xi32>
    %get3A_67 = arith.constant 0 : index
    %get3A_68 = tpu.vector_load %arg14[%get3A_67] {strides = array<i32>} : memref<512xi32, #tpu.memory_space<vmem>>, vector<16xi32>,
    %add3A_69 = arith.constant 1386 : i32
    %add3A_70 = vector.broadcast %add3A_69 : i32 to vector<16xi32>
    %add3A_71 = arith.addi %get3A_68, %add3A_70 : vector<16xi32>
    %gather3A = tpu.vector_load_idx %arg15[%get3A_56] : memref<1480xf32, #tpu.memory_space<vmem>>[vector<16xi32>], vector<16xf32>,
    %gather3A_72 = tpu.vector_load_idx %arg15[%add3A_61] : memref<1480xf32, #tpu.memory_space<vmem>>[vector<16xi32>], vector<16xf32>,
    %gather3A_73 = tpu.vector_load_idx %arg15[%add3A_66] : memref<1480xf32, #tpu.memory_space<vmem>>[vector<16xi32>], vector<16xf32>,
    %gather3A_74 = tpu.vector_load_idx %arg15[%add3A_71] : memref<1480xf32, #tpu.memory_space<vmem>>[vector<16xi32>], vector<16xf32>,
    %add3A_75 = arith.constant 0 : i32
    %add3A_76 = vector.broadcast %add3A_75 : i32 to vector<16xi32>
    %add3A_77 = arith.addi %iota3A, %add3A_76 : vector<16xi32>
    tpu.vector_store_idx %arg16[%add3A_77, %broadcast_in_dim3A_49], %gather3A : memref<512x4xf32, #tpu.memory_space<vmem>>[vector<16xi32>, vector<16xi32>], vector<16xf32>,
    tpu.vector_store_idx %arg16[%add3A_77, %broadcast_in_dim3A_51], %gather3A_72 : memref<512x4xf32, #tpu.memory_space<vmem>>[vector<16xi32>, vector<16xi32>], vector<16xf32>,
    tpu.vector_store_idx %arg16[%add3A_77, %broadcast_in_dim3A_53], %gather3A_73 : memref<512x4xf32, #tpu.memory_space<vmem>>[vector<16xi32>, vector<16xi32>], vector<16xf32>,
    tpu.vector_store_idx %arg16[%add3A_77, %broadcast_in_dim3A_55], %gather3A_74 : memref<512x4xf32, #tpu.memory_space<vmem>>[vector<16xi32>, vector<16xi32>], vector<16xf32>,
    %get3A_78 = arith.constant 16 : index
    %get3A_79 = tpu.vector_load %arg11[%get3A_78] {strides = array<i32>} : memref<512xi32, #tpu.memory_space<vmem>>, vector<16xi32>,
    %get3A_80 = arith.constant 16 : index
    %get3A_81 = tpu.vector_load %arg12[%get3A_80] {strides = array<i32>} : memref<512xi32, #tpu.memory_space<vmem>>, vector<16xi32>,
    %add3A_82 = arith.constant 1000 : i32
    %add3A_83 = vector.broadcast %add3A_82 : i32 to vector<16xi32>
    %add3A_84 = arith.addi %get3A_81, %add3A_83 : vector<16xi32>
    %get3A_85 = arith.constant 16 : index
    %get3A_86 = tpu.vector_load %arg13[%get3A_85] {strides = array<i32>} : memref<512xi32, #tpu.memory_space<vmem>>, vector<16xi32>,
    %add3A_87 = arith.constant 1016 : i32
    %add3A_88 = vector.broadcast %add3A_87 : i32 to vector<16xi32>
    %add3A_89 = arith.addi %get3A_86, %add3A_88 : vector<16xi32>
    %get3A_90 = arith.constant 16 : index
    %get3A_91 = tpu.vector_load %arg14[%get3A_90] {strides = array<i32>} : memref<512xi32, #tpu.memory_space<vmem>>, vector<16xi32>,
    %add3A_92 = arith.constant 1386 : i32
    %add3A_93 = vector.broadcast %add3A_92 : i32 to vector<16xi32>
    %add3A_94 = arith.addi %get3A_91, %add3A_93 : vector<16xi32>
    %gather3A_95 = tpu.vector_load_idx %arg15[%get3A_79] : memref<1480xf32, #tpu.memory_space<vmem>>[vector<16xi32>], vector<16xf32>,
    %gather3A_96 = tpu.vector_load_idx %arg15[%add3A_84] : memref<1480xf32, #tpu.memory_space<vmem>>[vector<16xi32>], vector<16xf32>,
    %gather3A_97 = tpu.vector_load_idx %arg15[%add3A_89] : memref<1480xf32, #tpu.memory_space<vmem>>[vector<16xi32>], vector<16xf32>,
    %gather3A_98 = tpu.vector_load_idx %arg15[%add3A_94] : memref<1480xf32, #tpu.memory_space<vmem>>[vector<16xi32>], vector<16xf32>,
    %add3A_99 = arith.constant 16 : i32
    %add3A_100 = vector.broadcast %add3A_99 : i32 to vector<16xi32>
    %add3A_101 = arith.addi %iota3A, %add3A_100 : vector<16xi32>
    tpu.vector_store_idx %arg16[%add3A_101, %broadcast_in_dim3A_49], %gather3A_95 : memref<512x4xf32, #tpu.memory_space<vmem>>[vector<16xi32>, vector<16xi32>], vector<16xf32>,
    tpu.vector_store_idx %arg16[%add3A_101, %broadcast_in_dim3A_51], %gather3A_96 : memref<512x4xf32, #tpu.memory_space<vmem>>[vector<16xi32>, vector<16xi32>], vector<16xf32>,
    tpu.vector_store_idx %arg16[%add3A_101, %broadcast_in_dim3A_53], %gather3A_97 : memref<512x4xf32, #tpu.memory_space<vmem>>[vector<16xi32>, vector<16xi32>], vector<16xf32>,
    tpu.vector_store_idx %arg16[%add3A_101, %broadcast_in_dim3A_55], %gather3A_98 : memref<512x4xf32, #tpu.memory_space<vmem>>[vector<16xi32>, vector<16xi32>], vector<16xf32>,
    %get3A_102 = arith.constant 32 : index
    %get3A_103 = tpu.vector_load %arg11[%get3A_102] {strides = array<i32>} : memref<512xi32, #tpu.memory_space<vmem>>, vector<16xi32>,
    %get3A_104 = arith.constant 32 : index
    %get3A_105 = tpu.vector_load %arg12[%get3A_104] {strides = array<i32>} : memref<512xi32, #tpu.memory_space<vmem>>, vector<16xi32>,
    %add3A_106 = arith.constant 1000 : i32
    %add3A_107 = vector.broadcast %add3A_106 : i32 to vector<16xi32>
    %add3A_108 = arith.addi %get3A_105, %add3A_107 : vector<16xi32>
    %get3A_109 = arith.constant 32 : index
    %get3A_110 = tpu.vector_load %arg13[%get3A_109] {strides = array<i32>} : memref<512xi32, #tpu.memory_space<vmem>>, vector<16xi32>,
    %add3A_111 = arith.constant 1016 : i32
    %add3A_112 = vector.broadcast %add3A_111 : i32 to vector<16xi32>
    %add3A_113 = arith.addi %get3A_110, %add3A_112 : vector<16xi32>
    %get3A_114 = arith.constant 32 : index
    %get3A_115 = tpu.vector_load %arg14[%get3A_114] {strides = array<i32>} : memref<512xi32, #tpu.memory_space<vmem>>, vector<16xi32>,
    %add3A_116 = arith.constant 1386 : i32
    %add3A_117 = vector.broadcast %add3A_116 : i32 to vector<16xi32>
    %add3A_118 = arith.addi %get3A_115, %add3A_117 : vector<16xi32>
    %gather3A_119 = tpu.vector_load_idx %arg15[%get3A_103] : memref<1480xf32, #tpu.memory_space<vmem>>[vector<16xi32>], vector<16xf32>,
    %gather3A_120 = tpu.vector_load_idx %arg15[%add3A_108] : memref<1480xf32, #tpu.memory_space<vmem>>[vector<16xi32>], vector<16xf32>,
    %gather3A_121 = tpu.vector_load_idx %arg15[%add3A_113] : memref<1480xf32, #tpu.memory_space<vmem>>[vector<16xi32>], vector<16xf32>,
    %gather3A_122 = tpu.vector_load_idx %arg15[%add3A_118] : memref<1480xf32, #tpu.memory_space<vmem>>[vector<16xi32>], vector<16xf32>,
    %add3A_123 = arith.constant 32 : i32
    %add3A_124 = vector.broadcast %add3A_123 : i32 to vector<16xi32>
    %add3A_125 = arith.addi %iota3A, %add3A_124 : vector<16xi32>
    tpu.vector_store_idx %arg16[%add3A_125, %broadcast_in_dim3A_49], %gather3A_119 : memref<512x4xf32, #tpu.memory_space<vmem>>[vector<16xi32>, vector<16xi32>], vector<16xf32>,
    tpu.vector_store_idx %arg16[%add3A_125, %broadcast_in_dim3A_51], %gather3A_120 : memref<512x4xf32, #tpu.memory_space<vmem>>[vector<16xi32>, vector<16xi32>], vector<16xf32>,
    tpu.vector_store_idx %arg16[%add3A_125, %broadcast_in_dim3A_53], %gather3A_121 : memref<512x4xf32, #tpu.memory_space<vmem>>[vector<16xi32>, vector<16xi32>], vector<16xf32>,
    tpu.vector_store_idx %arg16[%add3A_125, %broadcast_in_dim3A_55], %gather3A_122 : memref<512x4xf32, #tpu.memory_space<vmem>>[vector<16xi32>, vector<16xi32>], vector<16xf32>,
    %get3A_126 = arith.constant 48 : index
    %get3A_127 = tpu.vector_load %arg11[%get3A_126] {strides = array<i32>} : memref<512xi32, #tpu.memory_space<vmem>>, vector<16xi32>,
    %get3A_128 = arith.constant 48 : index
    %get3A_129 = tpu.vector_load %arg12[%get3A_128] {strides = array<i32>} : memref<512xi32, #tpu.memory_space<vmem>>, vector<16xi32>,
    %add3A_130 = arith.constant 1000 : i32
    %add3A_131 = vector.broadcast %add3A_130 : i32 to vector<16xi32>
    %add3A_132 = arith.addi %get3A_129, %add3A_131 : vector<16xi32>
    %get3A_133 = arith.constant 48 : index
    %get3A_134 = tpu.vector_load %arg13[%get3A_133] {strides = array<i32>} : memref<512xi32, #tpu.memory_space<vmem>>, vector<16xi32>,
    %add3A_135 = arith.constant 1016 : i32
    %add3A_136 = vector.broadcast %add3A_135 : i32 to vector<16xi32>
    %add3A_137 = arith.addi %get3A_134, %add3A_136 : vector<16xi32>
    %get3A_138 = arith.constant 48 : index
    %get3A_139 = tpu.vector_load %arg14[%get3A_138] {strides = array<i32>} : memref<512xi32, #tpu.memory_space<vmem>>, vector<16xi32>,
    %add3A_140 = arith.constant 1386 : i32
    %add3A_141 = vector.broadcast %add3A_140 : i32 to vector<16xi32>
    %add3A_142 = arith.addi %get3A_139, %add3A_141 : vector<16xi32>
    %gather3A_143 = tpu.vector_load_idx %arg15[%get3A_127] : memref<1480xf32, #tpu.memory_space<vmem>>[vector<16xi32>], vector<16xf32>,
    %gather3A_144 = tpu.vector_load_idx %arg15[%add3A_132] : memref<1480xf32, #tpu.memory_space<vmem>>[vector<16xi32>], vector<16xf32>,
    %gather3A_145 = tpu.vector_load_idx %arg15[%add3A_137] : memref<1480xf32, #tpu.memory_space<vmem>>[vector<16xi32>], vector<16xf32>,
    %gather3A_146 = tpu.vector_load_idx %arg15[%add3A_142] : memref<1480xf32, #tpu.memory_space<vmem>>[vector<16xi32>], vector<16xf32>,
    %add3A_147 = arith.constant 48 : i32
    %add3A_148 = vector.broadcast %add3A_147 : i32 to vector<16xi32>
    %add3A_149 = arith.addi %iota3A, %add3A_148 : vector<16xi32>
    tpu.vector_store_idx %arg16[%add3A_149, %broadcast_in_dim3A_49], %gather3A_143 : memref<512x4xf32, #tpu.memory_space<vmem>>[vector<16xi32>, vector<16xi32>], vector<16xf32>,
    tpu.vector_store_idx %arg16[%add3A_149, %broadcast_in_dim3A_51], %gather3A_144 : memref<512x4xf32, #tpu.memory_space<vmem>>[vector<16xi32>, vector<16xi32>], vector<16xf32>,
    tpu.vector_store_idx %arg16[%add3A_149, %broadcast_in_dim3A_53], %gather3A_145 : memref<512x4xf32, #tpu.memory_space<vmem>>[vector<16xi32>, vector<16xi32>], vector<16xf32>,
    tpu.vector_store_idx %arg16[%add3A_149, %broadcast_in_dim3A_55], %gather3A_146 : memref<512x4xf32, #tpu.memory_space<vmem>>[vector<16xi32>, vector<16xi32>], vector<16xf32>,
    %get3A_150 = arith.constant 64 : index
    %get3A_151 = tpu.vector_load %arg11[%get3A_150] {strides = array<i32>} : memref<512xi32, #tpu.memory_space<vmem>>, vector<16xi32>,
    %get3A_152 = arith.constant 64 : index
    %get3A_153 = tpu.vector_load %arg12[%get3A_152] {strides = array<i32>} : memref<512xi32, #tpu.memory_space<vmem>>, vector<16xi32>,
    %add3A_154 = arith.constant 1000 : i32
    %add3A_155 = vector.broadcast %add3A_154 : i32 to vector<16xi32>
    %add3A_156 = arith.addi %get3A_153, %add3A_155 : vector<16xi32>
    %get3A_157 = arith.constant 64 : index
    %get3A_158 = tpu.vector_load %arg13[%get3A_157] {strides = array<i32>} : memref<512xi32, #tpu.memory_space<vmem>>, vector<16xi32>,
    %add3A_159 = arith.constant 1016 : i32
    %add3A_160 = vector.broadcast %add3A_159 : i32 to vector<16xi32>
    %add3A_161 = arith.addi %get3A_158, %add3A_160 : vector<16xi32>
    %get3A_162 = arith.constant 64 : index
    %get3A_163 = tpu.vector_load %arg14[%get3A_162] {strides = array<i32>} : memref<512xi32, #tpu.memory_space<vmem>>, vector<16xi32>,
    %add3A_164 = arith.constant 1386 : i32
    %add3A_165 = vector.broadcast %add3A_164 : i32 to vector<16xi32>
    %add3A_166 = arith.addi %get3A_163, %add3A_165 : vector<16xi32>
    %gather3A_167 = tpu.vector_load_idx %arg15[%get3A_151] : memref<1480xf32, #tpu.memory_space<vmem>>[vector<16xi32>], vector<16xf32>,
    %gather3A_168 = tpu.vector_load_idx %arg15[%add3A_156] : memref<1480xf32, #tpu.memory_space<vmem>>[vector<16xi32>], vector<16xf32>,
    %gather3A_169 = tpu.vector_load_idx %arg15[%add3A_161] : memref<1480xf32, #tpu.memory_space<vmem>>[vector<16xi32>], vector<16xf32>,
    %gather3A_170 = tpu.vector_load_idx %arg15[%add3A_166] : memref<1480xf32, #tpu.memory_space<vmem>>[vector<16xi32>], vector<16xf32>,
    %add3A_171 = arith.constant 64 : i32
    %add3A_172 = vector.broadcast %add3A_171 : i32 to vector<16xi32>
    %add3A_173 = arith.addi %iota3A, %add3A_172 : vector<16xi32>
    tpu.vector_store_idx %arg16[%add3A_173, %broadcast_in_dim3A_49], %gather3A_167 : memref<512x4xf32, #tpu.memory_space<vmem>>[vector<16xi32>, vector<16xi32>], vector<16xf32>,
    tpu.vector_store_idx %arg16[%add3A_173, %broadcast_in_dim3A_51], %gather3A_168 : memref<512x4xf32, #tpu.memory_space<vmem>>[vector<16xi32>, vector<16xi32>], vector<16xf32>,
    tpu.vector_store_idx %arg16[%add3A_173, %broadcast_in_dim3A_53], %gather3A_169 : memref<512x4xf32, #tpu.memory_space<vmem>>[vector<16xi32>, vector<16xi32>], vector<16xf32>,
    tpu.vector_store_idx %arg16[%add3A_173, %broadcast_in_dim3A_55], %gather3A_170 : memref<512x4xf32, #tpu.memory_space<vmem>>[vector<16xi32>, vector<16xi32>], vector<16xf32>,
    %get3A_174 = arith.constant 80 : index
    %get3A_175 = tpu.vector_load %arg11[%get3A_174] {strides = array<i32>} : memref<512xi32, #tpu.memory_space<vmem>>, vector<16xi32>,
    %get3A_176 = arith.constant 80 : index
    %get3A_177 = tpu.vector_load %arg12[%get3A_176] {strides = array<i32>} : memref<512xi32, #tpu.memory_space<vmem>>, vector<16xi32>,
    %add3A_178 = arith.constant 1000 : i32
    %add3A_179 = vector.broadcast %add3A_178 : i32 to vector<16xi32>
    %add3A_180 = arith.addi %get3A_177, %add3A_179 : vector<16xi32>
    %get3A_181 = arith.constant 80 : index
    %get3A_182 = tpu.vector_load %arg13[%get3A_181] {strides = array<i32>} : memref<512xi32, #tpu.memory_space<vmem>>, vector<16xi32>,
    %add3A_183 = arith.constant 1016 : i32
    %add3A_184 = vector.broadcast %add3A_183 : i32 to vector<16xi32>
    %add3A_185 = arith.addi %get3A_182, %add3A_184 : vector<16xi32>
    %get3A_186 = arith.constant 80 : index
    %get3A_187 = tpu.vector_load %arg14[%get3A_186] {strides = array<i32>} : memref<512xi32, #tpu.memory_space<vmem>>, vector<16xi32>,
    %add3A_188 = arith.constant 1386 : i32
    %add3A_189 = vector.broadcast %add3A_188 : i32 to vector<16xi32>
    %add3A_190 = arith.addi %get3A_187, %add3A_189 : vector<16xi32>
    %gather3A_191 = tpu.vector_load_idx %arg15[%get3A_175] : memref<1480xf32, #tpu.memory_space<vmem>>[vector<16xi32>], vector<16xf32>,
    %gather3A_192 = tpu.vector_load_idx %arg15[%add3A_180] : memref<1480xf32, #tpu.memory_space<vmem>>[vector<16xi32>], vector<16xf32>,
    %gather3A_193 = tpu.vector_load_idx %arg15[%add3A_185] : memref<1480xf32, #tpu.memory_space<vmem>>[vector<16xi32>], vector<16xf32>,
    %gather3A_194 = tpu.vector_load_idx %arg15[%add3A_190] : memref<1480xf32, #tpu.memory_space<vmem>>[vector<16xi32>], vector<16xf32>,
    %add3A_195 = arith.constant 80 : i32
    %add3A_196 = vector.broadcast %add3A_195 : i32 to vector<16xi32>
    %add3A_197 = arith.addi %iota3A, %add3A_196 : vector<16xi32>
    tpu.vector_store_idx %arg16[%add3A_197, %broadcast_in_dim3A_49], %gather3A_191 : memref<512x4xf32, #tpu.memory_space<vmem>>[vector<16xi32>, vector<16xi32>], vector<16xf32>,
    tpu.vector_store_idx %arg16[%add3A_197, %broadcast_in_dim3A_51], %gather3A_192 : memref<512x4xf32, #tpu.memory_space<vmem>>[vector<16xi32>, vector<16xi32>], vector<16xf32>,
    tpu.vector_store_idx %arg16[%add3A_197, %broadcast_in_dim3A_53], %gather3A_193 : memref<512x4xf32, #tpu.memory_space<vmem>>[vector<16xi32>, vector<16xi32>], vector<16xf32>,
    tpu.vector_store_idx %arg16[%add3A_197, %broadcast_in_dim3A_55], %gather3A_194 : memref<512x4xf32, #tpu.memory_space<vmem>>[vector<16xi32>, vector<16xi32>], vector<16xf32>,
    %get3A_198 = arith.constant 96 : index
    %get3A_199 = tpu.vector_load %arg11[%get3A_198] {strides = array<i32>} : memref<512xi32, #tpu.memory_space<vmem>>, vector<16xi32>,
    %get3A_200 = arith.constant 96 : index
    %get3A_201 = tpu.vector_load %arg12[%get3A_200] {strides = array<i32>} : memref<512xi32, #tpu.memory_space<vmem>>, vector<16xi32>,
    %add3A_202 = arith.constant 1000 : i32
    %add3A_203 = vector.broadcast %add3A_202 : i32 to vector<16xi32>
    %add3A_204 = arith.addi %get3A_201, %add3A_203 : vector<16xi32>
    %get3A_205 = arith.constant 96 : index
    %get3A_206 = tpu.vector_load %arg13[%get3A_205] {strides = array<i32>} : memref<512xi32, #tpu.memory_space<vmem>>, vector<16xi32>,
    %add3A_207 = arith.constant 1016 : i32
    %add3A_208 = vector.broadcast %add3A_207 : i32 to vector<16xi32>
    %add3A_209 = arith.addi %get3A_206, %add3A_208 : vector<16xi32>
    %get3A_210 = arith.constant 96 : index
    %get3A_211 = tpu.vector_load %arg14[%get3A_210] {strides = array<i32>} : memref<512xi32, #tpu.memory_space<vmem>>, vector<16xi32>,
    %add3A_212 = arith.constant 1386 : i32
    %add3A_213 = vector.broadcast %add3A_212 : i32 to vector<16xi32>
    %add3A_214 = arith.addi %get3A_211, %add3A_213 : vector<16xi32>
    %gather3A_215 = tpu.vector_load_idx %arg15[%get3A_199] : memref<1480xf32, #tpu.memory_space<vmem>>[vector<16xi32>], vector<16xf32>,
    %gather3A_216 = tpu.vector_load_idx %arg15[%add3A_204] : memref<1480xf32, #tpu.memory_space<vmem>>[vector<16xi32>], vector<16xf32>,
    %gather3A_217 = tpu.vector_load_idx %arg15[%add3A_209] : memref<1480xf32, #tpu.memory_space<vmem>>[vector<16xi32>], vector<16xf32>,
    %gather3A_218 = tpu.vector_load_idx %arg15[%add3A_214] : memref<1480xf32, #tpu.memory_space<vmem>>[vector<16xi32>], vector<16xf32>,
    %add3A_219 = arith.constant 96 : i32
    %add3A_220 = vector.broadcast %add3A_219 : i32 to vector<16xi32>
    %add3A_221 = arith.addi %iota3A, %add3A_220 : vector<16xi32>
    tpu.vector_store_idx %arg16[%add3A_221, %broadcast_in_dim3A_49], %gather3A_215 : memref<512x4xf32, #tpu.memory_space<vmem>>[vector<16xi32>, vector<16xi32>], vector<16xf32>,
    tpu.vector_store_idx %arg16[%add3A_221, %broadcast_in_dim3A_51], %gather3A_216 : memref<512x4xf32, #tpu.memory_space<vmem>>[vector<16xi32>, vector<16xi32>], vector<16xf32>,
    tpu.vector_store_idx %arg16[%add3A_221, %broadcast_in_dim3A_53], %gather3A_217 : memref<512x4xf32, #tpu.memory_space<vmem>>[vector<16xi32>, vector<16xi32>], vector<16xf32>,
    tpu.vector_store_idx %arg16[%add3A_221, %broadcast_in_dim3A_55], %gather3A_218 : memref<512x4xf32, #tpu.memory_space<vmem>>[vector<16xi32>, vector<16xi32>], vector<16xf32>,
    %get3A_222 = arith.constant 112 : index
    %get3A_223 = tpu.vector_load %arg11[%get3A_222] {strides = array<i32>} : memref<512xi32, #tpu.memory_space<vmem>>, vector<16xi32>,
    %get3A_224 = arith.constant 112 : index
    %get3A_225 = tpu.vector_load %arg12[%get3A_224] {strides = array<i32>} : memref<512xi32, #tpu.memory_space<vmem>>, vector<16xi32>,
    %add3A_226 = arith.constant 1000 : i32
    %add3A_227 = vector.broadcast %add3A_226 : i32 to vector<16xi32>
    %add3A_228 = arith.addi %get3A_225, %add3A_227 : vector<16xi32>
    %get3A_229 = arith.constant 112 : index
    %get3A_230 = tpu.vector_load %arg13[%get3A_229] {strides = array<i32>} : memref<512xi32, #tpu.memory_space<vmem>>, vector<16xi32>,
    %add3A_231 = arith.constant 1016 : i32
    %add3A_232 = vector.broadcast %add3A_231 : i32 to vector<16xi32>
    %add3A_233 = arith.addi %get3A_230, %add3A_232 : vector<16xi32>
    %get3A_234 = arith.constant 112 : index
    %get3A_235 = tpu.vector_load %arg14[%get3A_234] {strides = array<i32>} : memref<512xi32, #tpu.memory_space<vmem>>, vector<16xi32>,
    %add3A_236 = arith.constant 1386 : i32
    %add3A_237 = vector.broadcast %add3A_236 : i32 to vector<16xi32>
    %add3A_238 = arith.addi %get3A_235, %add3A_237 : vector<16xi32>
    %gather3A_239 = tpu.vector_load_idx %arg15[%get3A_223] : memref<1480xf32, #tpu.memory_space<vmem>>[vector<16xi32>], vector<16xf32>,
    %gather3A_240 = tpu.vector_load_idx %arg15[%add3A_228] : memref<1480xf32, #tpu.memory_space<vmem>>[vector<16xi32>], vector<16xf32>,
    %gather3A_241 = tpu.vector_load_idx %arg15[%add3A_233] : memref<1480xf32, #tpu.memory_space<vmem>>[vector<16xi32>], vector<16xf32>,
    %gather3A_242 = tpu.vector_load_idx %arg15[%add3A_238] : memref<1480xf32, #tpu.memory_space<vmem>>[vector<16xi32>], vector<16xf32>,
    %add3A_243 = arith.constant 112 : i32
    %add3A_244 = vector.broadcast %add3A_243 : i32 to vector<16xi32>
    %add3A_245 = arith.addi %iota3A, %add3A_244 : vector<16xi32>
    tpu.vector_store_idx %arg16[%add3A_245, %broadcast_in_dim3A_49], %gather3A_239 : memref<512x4xf32, #tpu.memory_space<vmem>>[vector<16xi32>, vector<16xi32>], vector<16xf32>,
    tpu.vector_store_idx %arg16[%add3A_245, %broadcast_in_dim3A_51], %gather3A_240 : memref<512x4xf32, #tpu.memory_space<vmem>>[vector<16xi32>, vector<16xi32>], vector<16xf32>,
    tpu.vector_store_idx %arg16[%add3A_245, %broadcast_in_dim3A_53], %gather3A_241 : memref<512x4xf32, #tpu.memory_space<vmem>>[vector<16xi32>, vector<16xi32>], vector<16xf32>,
    tpu.vector_store_idx %arg16[%add3A_245, %broadcast_in_dim3A_55], %gather3A_242 : memref<512x4xf32, #tpu.memory_space<vmem>>[vector<16xi32>, vector<16xi32>], vector<16xf32>,
    %get3A_246 = arith.constant 128 : index
    %get3A_247 = tpu.vector_load %arg11[%get3A_246] {strides = array<i32>} : memref<512xi32, #tpu.memory_space<vmem>>, vector<16xi32>,
    %get3A_248 = arith.constant 128 : index
    %get3A_249 = tpu.vector_load %arg12[%get3A_248] {strides = array<i32>} : memref<512xi32, #tpu.memory_space<vmem>>, vector<16xi32>,
    %add3A_250 = arith.constant 1000 : i32
    %add3A_251 = vector.broadcast %add3A_250 : i32 to vector<16xi32>
    %add3A_252 = arith.addi %get3A_249, %add3A_251 : vector<16xi32>
    %get3A_253 = arith.constant 128 : index
    %get3A_254 = tpu.vector_load %arg13[%get3A_253] {strides = array<i32>} : memref<512xi32, #tpu.memory_space<vmem>>, vector<16xi32>,
    %add3A_255 = arith.constant 1016 : i32
    %add3A_256 = vector.broadcast %add3A_255 : i32 to vector<16xi32>
    %add3A_257 = arith.addi %get3A_254, %add3A_256 : vector<16xi32>
    %get3A_258 = arith.constant 128 : index
    %get3A_259 = tpu.vector_load %arg14[%get3A_258] {strides = array<i32>} : memref<512xi32, #tpu.memory_space<vmem>>, vector<16xi32>,
    %add3A_260 = arith.constant 1386 : i32
    %add3A_261 = vector.broadcast %add3A_260 : i32 to vector<16xi32>
    %add3A_262 = arith.addi %get3A_259, %add3A_261 : vector<16xi32>
    %gather3A_263 = tpu.vector_load_idx %arg15[%get3A_247] : memref<1480xf32, #tpu.memory_space<vmem>>[vector<16xi32>], vector<16xf32>,
    %gather3A_264 = tpu.vector_load_idx %arg15[%add3A_252] : memref<1480xf32, #tpu.memory_space<vmem>>[vector<16xi32>], vector<16xf32>,
    %gather3A_265 = tpu.vector_load_idx %arg15[%add3A_257] : memref<1480xf32, #tpu.memory_space<vmem>>[vector<16xi32>], vector<16xf32>,
    %gather3A_266 = tpu.vector_load_idx %arg15[%add3A_262] : memref<1480xf32, #tpu.memory_space<vmem>>[vector<16xi32>], vector<16xf32>,
    %add3A_267 = arith.constant 128 : i32
    %add3A_268 = vector.broadcast %add3A_267 : i32 to vector<16xi32>
    %add3A_269 = arith.addi %iota3A, %add3A_268 : vector<16xi32>
    tpu.vector_store_idx %arg16[%add3A_269, %broadcast_in_dim3A_49], %gather3A_263 : memref<512x4xf32, #tpu.memory_space<vmem>>[vector<16xi32>, vector<16xi32>], vector<16xf32>,
    tpu.vector_store_idx %arg16[%add3A_269, %broadcast_in_dim3A_51], %gather3A_264 : memref<512x4xf32, #tpu.memory_space<vmem>>[vector<16xi32>, vector<16xi32>], vector<16xf32>,
    tpu.vector_store_idx %arg16[%add3A_269, %broadcast_in_dim3A_53], %gather3A_265 : memref<512x4xf32, #tpu.memory_space<vmem>>[vector<16xi32>, vector<16xi32>], vector<16xf32>,
    tpu.vector_store_idx %arg16[%add3A_269, %broadcast_in_dim3A_55], %gather3A_266 : memref<512x4xf32, #tpu.memory_space<vmem>>[vector<16xi32>, vector<16xi32>], vector<16xf32>,
    %get3A_270 = arith.constant 144 : index
    %get3A_271 = tpu.vector_load %arg11[%get3A_270] {strides = array<i32>} : memref<512xi32, #tpu.memory_space<vmem>>, vector<16xi32>,
    %get3A_272 = arith.constant 144 : index
    %get3A_273 = tpu.vector_load %arg12[%get3A_272] {strides = array<i32>} : memref<512xi32, #tpu.memory_space<vmem>>, vector<16xi32>,
    %add3A_274 = arith.constant 1000 : i32
    %add3A_275 = vector.broadcast %add3A_274 : i32 to vector<16xi32>
    %add3A_276 = arith.addi %get3A_273, %add3A_275 : vector<16xi32>
    %get3A_277 = arith.constant 144 : index
    %get3A_278 = tpu.vector_load %arg13[%get3A_277] {strides = array<i32>} : memref<512xi32, #tpu.memory_space<vmem>>, vector<16xi32>,
    %add3A_279 = arith.constant 1016 : i32
    %add3A_280 = vector.broadcast %add3A_279 : i32 to vector<16xi32>
    %add3A_281 = arith.addi %get3A_278, %add3A_280 : vector<16xi32>
    %get3A_282 = arith.constant 144 : index
    %get3A_283 = tpu.vector_load %arg14[%get3A_282] {strides = array<i32>} : memref<512xi32, #tpu.memory_space<vmem>>, vector<16xi32>,
    %add3A_284 = arith.constant 1386 : i32
    %add3A_285 = vector.broadcast %add3A_284 : i32 to vector<16xi32>
    %add3A_286 = arith.addi %get3A_283, %add3A_285 : vector<16xi32>
    %gather3A_287 = tpu.vector_load_idx %arg15[%get3A_271] : memref<1480xf32, #tpu.memory_space<vmem>>[vector<16xi32>], vector<16xf32>,
    %gather3A_288 = tpu.vector_load_idx %arg15[%add3A_276] : memref<1480xf32, #tpu.memory_space<vmem>>[vector<16xi32>], vector<16xf32>,
    %gather3A_289 = tpu.vector_load_idx %arg15[%add3A_281] : memref<1480xf32, #tpu.memory_space<vmem>>[vector<16xi32>], vector<16xf32>,
    %gather3A_290 = tpu.vector_load_idx %arg15[%add3A_286] : memref<1480xf32, #tpu.memory_space<vmem>>[vector<16xi32>], vector<16xf32>,
    %add3A_291 = arith.constant 144 : i32
    %add3A_292 = vector.broadcast %add3A_291 : i32 to vector<16xi32>
    %add3A_293 = arith.addi %iota3A, %add3A_292 : vector<16xi32>
    tpu.vector_store_idx %arg16[%add3A_293, %broadcast_in_dim3A_49], %gather3A_287 : memref<512x4xf32, #tpu.memory_space<vmem>>[vector<16xi32>, vector<16xi32>], vector<16xf32>,
    tpu.vector_store_idx %arg16[%add3A_293, %broadcast_in_dim3A_51], %gather3A_288 : memref<512x4xf32, #tpu.memory_space<vmem>>[vector<16xi32>, vector<16xi32>], vector<16xf32>,
    tpu.vector_store_idx %arg16[%add3A_293, %broadcast_in_dim3A_53], %gather3A_289 : memref<512x4xf32, #tpu.memory_space<vmem>>[vector<16xi32>, vector<16xi32>], vector<16xf32>,
    tpu.vector_store_idx %arg16[%add3A_293, %broadcast_in_dim3A_55], %gather3A_290 : memref<512x4xf32, #tpu.memory_space<vmem>>[vector<16xi32>, vector<16xi32>], vector<16xf32>,
    %get3A_294 = arith.constant 160 : index
    %get3A_295 = tpu.vector_load %arg11[%get3A_294] {strides = array<i32>} : memref<512xi32, #tpu.memory_space<vmem>>, vector<16xi32>,
    %get3A_296 = arith.constant 160 : index
    %get3A_297 = tpu.vector_load %arg12[%get3A_296] {strides = array<i32>} : memref<512xi32, #tpu.memory_space<vmem>>, vector<16xi32>,
    %add3A_298 = arith.constant 1000 : i32
    %add3A_299 = vector.broadcast %add3A_298 : i32 to vector<16xi32>
    %add3A_300 = arith.addi %get3A_297, %add3A_299 : vector<16xi32>
    %get3A_301 = arith.constant 160 : index
    %get3A_302 = tpu.vector_load %arg13[%get3A_301] {strides = array<i32>} : memref<512xi32, #tpu.memory_space<vmem>>, vector<16xi32>,
    %add3A_303 = arith.constant 1016 : i32
    %add3A_304 = vector.broadcast %add3A_303 : i32 to vector<16xi32>
    %add3A_305 = arith.addi %get3A_302, %add3A_304 : vector<16xi32>
    %get3A_306 = arith.constant 160 : index
    %get3A_307 = tpu.vector_load %arg14[%get3A_306] {strides = array<i32>} : memref<512xi32, #tpu.memory_space<vmem>>, vector<16xi32>,
    %add3A_308 = arith.constant 1386 : i32
    %add3A_309 = vector.broadcast %add3A_308 : i32 to vector<16xi32>
    %add3A_310 = arith.addi %get3A_307, %add3A_309 : vector<16xi32>
    %gather3A_311 = tpu.vector_load_idx %arg15[%get3A_295] : memref<1480xf32, #tpu.memory_space<vmem>>[vector<16xi32>], vector<16xf32>,
    %gather3A_312 = tpu.vector_load_idx %arg15[%add3A_300] : memref<1480xf32, #tpu.memory_space<vmem>>[vector<16xi32>], vector<16xf32>,
    %gather3A_313 = tpu.vector_load_idx %arg15[%add3A_305] : memref<1480xf32, #tpu.memory_space<vmem>>[vector<16xi32>], vector<16xf32>,
    %gather3A_314 = tpu.vector_load_idx %arg15[%add3A_310] : memref<1480xf32, #tpu.memory_space<vmem>>[vector<16xi32>], vector<16xf32>,
    %add3A_315 = arith.constant 160 : i32
    %add3A_316 = vector.broadcast %add3A_315 : i32 to vector<16xi32>
    %add3A_317 = arith.addi %iota3A, %add3A_316 : vector<16xi32>
    tpu.vector_store_idx %arg16[%add3A_317, %broadcast_in_dim3A_49], %gather3A_311 : memref<512x4xf32, #tpu.memory_space<vmem>>[vector<16xi32>, vector<16xi32>], vector<16xf32>,
    tpu.vector_store_idx %arg16[%add3A_317, %broadcast_in_dim3A_51], %gather3A_312 : memref<512x4xf32, #tpu.memory_space<vmem>>[vector<16xi32>, vector<16xi32>], vector<16xf32>,
    tpu.vector_store_idx %arg16[%add3A_317, %broadcast_in_dim3A_53], %gather3A_313 : memref<512x4xf32, #tpu.memory_space<vmem>>[vector<16xi32>, vector<16xi32>], vector<16xf32>,
    tpu.vector_store_idx %arg16[%add3A_317, %broadcast_in_dim3A_55], %gather3A_314 : memref<512x4xf32, #tpu.memory_space<vmem>>[vector<16xi32>, vector<16xi32>], vector<16xf32>,
    %get3A_318 = arith.constant 176 : index
    %get3A_319 = tpu.vector_load %arg11[%get3A_318] {strides = array<i32>} : memref<512xi32, #tpu.memory_space<vmem>>, vector<16xi32>,
    %get3A_320 = arith.constant 176 : index
    %get3A_321 = tpu.vector_load %arg12[%get3A_320] {strides = array<i32>} : memref<512xi32, #tpu.memory_space<vmem>>, vector<16xi32>,
    %add3A_322 = arith.constant 1000 : i32
    %add3A_323 = vector.broadcast %add3A_322 : i32 to vector<16xi32>
    %add3A_324 = arith.addi %get3A_321, %add3A_323 : vector<16xi32>
    %get3A_325 = arith.constant 176 : index
    %get3A_326 = tpu.vector_load %arg13[%get3A_325] {strides = array<i32>} : memref<512xi32, #tpu.memory_space<vmem>>, vector<16xi32>,
    %add3A_327 = arith.constant 1016 : i32
    %add3A_328 = vector.broadcast %add3A_327 : i32 to vector<16xi32>
    %add3A_329 = arith.addi %get3A_326, %add3A_328 : vector<16xi32>
    %get3A_330 = arith.constant 176 : index
    %get3A_331 = tpu.vector_load %arg14[%get3A_330] {strides = array<i32>} : memref<512xi32, #tpu.memory_space<vmem>>, vector<16xi32>,
    %add3A_332 = arith.constant 1386 : i32
    %add3A_333 = vector.broadcast %add3A_332 : i32 to vector<16xi32>
    %add3A_334 = arith.addi %get3A_331, %add3A_333 : vector<16xi32>
    %gather3A_335 = tpu.vector_load_idx %arg15[%get3A_319] : memref<1480xf32, #tpu.memory_space<vmem>>[vector<16xi32>], vector<16xf32>,
    %gather3A_336 = tpu.vector_load_idx %arg15[%add3A_324] : memref<1480xf32, #tpu.memory_space<vmem>>[vector<16xi32>], vector<16xf32>,
    %gather3A_337 = tpu.vector_load_idx %arg15[%add3A_329] : memref<1480xf32, #tpu.memory_space<vmem>>[vector<16xi32>], vector<16xf32>,
    %gather3A_338 = tpu.vector_load_idx %arg15[%add3A_334] : memref<1480xf32, #tpu.memory_space<vmem>>[vector<16xi32>], vector<16xf32>,
    %add3A_339 = arith.constant 176 : i32
    %add3A_340 = vector.broadcast %add3A_339 : i32 to vector<16xi32>
    %add3A_341 = arith.addi %iota3A, %add3A_340 : vector<16xi32>
    tpu.vector_store_idx %arg16[%add3A_341, %broadcast_in_dim3A_49], %gather3A_335 : memref<512x4xf32, #tpu.memory_space<vmem>>[vector<16xi32>, vector<16xi32>], vector<16xf32>,
    tpu.vector_store_idx %arg16[%add3A_341, %broadcast_in_dim3A_51], %gather3A_336 : memref<512x4xf32, #tpu.memory_space<vmem>>[vector<16xi32>, vector<16xi32>], vector<16xf32>,
    tpu.vector_store_idx %arg16[%add3A_341, %broadcast_in_dim3A_53], %gather3A_337 : memref<512x4xf32, #tpu.memory_space<vmem>>[vector<16xi32>, vector<16xi32>], vector<16xf32>,
    tpu.vector_store_idx %arg16[%add3A_341, %broadcast_in_dim3A_55], %gather3A_338 : memref<512x4xf32, #tpu.memory_space<vmem>>[vector<16xi32>, vector<16xi32>], vector<16xf32>,
    %get3A_342 = arith.constant 192 : index
    %get3A_343 = tpu.vector_load %arg11[%get3A_342] {strides = array<i32>} : memref<512xi32, #tpu.memory_space<vmem>>, vector<16xi32>,
    %get3A_344 = arith.constant 192 : index
    %get3A_345 = tpu.vector_load %arg12[%get3A_344] {strides = array<i32>} : memref<512xi32, #tpu.memory_space<vmem>>, vector<16xi32>,
    %add3A_346 = arith.constant 1000 : i32
    %add3A_347 = vector.broadcast %add3A_346 : i32 to vector<16xi32>
    %add3A_348 = arith.addi %get3A_345, %add3A_347 : vector<16xi32>
    %get3A_349 = arith.constant 192 : index
    %get3A_350 = tpu.vector_load %arg13[%get3A_349] {strides = array<i32>} : memref<512xi32, #tpu.memory_space<vmem>>, vector<16xi32>,
    %add3A_351 = arith.constant 1016 : i32
    %add3A_352 = vector.broadcast %add3A_351 : i32 to vector<16xi32>
    %add3A_353 = arith.addi %get3A_350, %add3A_352 : vector<16xi32>
    %get3A_354 = arith.constant 192 : index
    %get3A_355 = tpu.vector_load %arg14[%get3A_354] {strides = array<i32>} : memref<512xi32, #tpu.memory_space<vmem>>, vector<16xi32>,
    %add3A_356 = arith.constant 1386 : i32
    %add3A_357 = vector.broadcast %add3A_356 : i32 to vector<16xi32>
    %add3A_358 = arith.addi %get3A_355, %add3A_357 : vector<16xi32>
    %gather3A_359 = tpu.vector_load_idx %arg15[%get3A_343] : memref<1480xf32, #tpu.memory_space<vmem>>[vector<16xi32>], vector<16xf32>,
    %gather3A_360 = tpu.vector_load_idx %arg15[%add3A_348] : memref<1480xf32, #tpu.memory_space<vmem>>[vector<16xi32>], vector<16xf32>,
    %gather3A_361 = tpu.vector_load_idx %arg15[%add3A_353] : memref<1480xf32, #tpu.memory_space<vmem>>[vector<16xi32>], vector<16xf32>,
    %gather3A_362 = tpu.vector_load_idx %arg15[%add3A_358] : memref<1480xf32, #tpu.memory_space<vmem>>[vector<16xi32>], vector<16xf32>,
    %add3A_363 = arith.constant 192 : i32
    %add3A_364 = vector.broadcast %add3A_363 : i32 to vector<16xi32>
    %add3A_365 = arith.addi %iota3A, %add3A_364 : vector<16xi32>
    tpu.vector_store_idx %arg16[%add3A_365, %broadcast_in_dim3A_49], %gather3A_359 : memref<512x4xf32, #tpu.memory_space<vmem>>[vector<16xi32>, vector<16xi32>], vector<16xf32>,
    tpu.vector_store_idx %arg16[%add3A_365, %broadcast_in_dim3A_51], %gather3A_360 : memref<512x4xf32, #tpu.memory_space<vmem>>[vector<16xi32>, vector<16xi32>], vector<16xf32>,
    tpu.vector_store_idx %arg16[%add3A_365, %broadcast_in_dim3A_53], %gather3A_361 : memref<512x4xf32, #tpu.memory_space<vmem>>[vector<16xi32>, vector<16xi32>], vector<16xf32>,
    tpu.vector_store_idx %arg16[%add3A_365, %broadcast_in_dim3A_55], %gather3A_362 : memref<512x4xf32, #tpu.memory_space<vmem>>[vector<16xi32>, vector<16xi32>], vector<16xf32>,
    %get3A_366 = arith.constant 208 : index
    %get3A_367 = tpu.vector_load %arg11[%get3A_366] {strides = array<i32>} : memref<512xi32, #tpu.memory_space<vmem>>, vector<16xi32>,
    %get3A_368 = arith.constant 208 : index
    %get3A_369 = tpu.vector_load %arg12[%get3A_368] {strides = array<i32>} : memref<512xi32, #tpu.memory_space<vmem>>, vector<16xi32>,
    %add3A_370 = arith.constant 1000 : i32
    %add3A_371 = vector.broadcast %add3A_370 : i32 to vector<16xi32>
    %add3A_372 = arith.addi %get3A_369, %add3A_371 : vector<16xi32>
    %get3A_373 = arith.constant 208 : index
    %get3A_374 = tpu.vector_load %arg13[%get3A_373] {strides = array<i32>} : memref<512xi32, #tpu.memory_space<vmem>>, vector<16xi32>,
    %add3A_375 = arith.constant 1016 : i32
    %add3A_376 = vector.broadcast %add3A_375 : i32 to vector<16xi32>
    %add3A_377 = arith.addi %get3A_374, %add3A_376 : vector<16xi32>
    %get3A_378 = arith.constant 208 : index
    %get3A_379 = tpu.vector_load %arg14[%get3A_378] {strides = array<i32>} : memref<512xi32, #tpu.memory_space<vmem>>, vector<16xi32>,
    %add3A_380 = arith.constant 1386 : i32
    %add3A_381 = vector.broadcast %add3A_380 : i32 to vector<16xi32>
    %add3A_382 = arith.addi %get3A_379, %add3A_381 : vector<16xi32>
    %gather3A_383 = tpu.vector_load_idx %arg15[%get3A_367] : memref<1480xf32, #tpu.memory_space<vmem>>[vector<16xi32>], vector<16xf32>,
    %gather3A_384 = tpu.vector_load_idx %arg15[%add3A_372] : memref<1480xf32, #tpu.memory_space<vmem>>[vector<16xi32>], vector<16xf32>,
    %gather3A_385 = tpu.vector_load_idx %arg15[%add3A_377] : memref<1480xf32, #tpu.memory_space<vmem>>[vector<16xi32>], vector<16xf32>,
    %gather3A_386 = tpu.vector_load_idx %arg15[%add3A_382] : memref<1480xf32, #tpu.memory_space<vmem>>[vector<16xi32>], vector<16xf32>,
    %add3A_387 = arith.constant 208 : i32
    %add3A_388 = vector.broadcast %add3A_387 : i32 to vector<16xi32>
    %add3A_389 = arith.addi %iota3A, %add3A_388 : vector<16xi32>
    tpu.vector_store_idx %arg16[%add3A_389, %broadcast_in_dim3A_49], %gather3A_383 : memref<512x4xf32, #tpu.memory_space<vmem>>[vector<16xi32>, vector<16xi32>], vector<16xf32>,
    tpu.vector_store_idx %arg16[%add3A_389, %broadcast_in_dim3A_51], %gather3A_384 : memref<512x4xf32, #tpu.memory_space<vmem>>[vector<16xi32>, vector<16xi32>], vector<16xf32>,
    tpu.vector_store_idx %arg16[%add3A_389, %broadcast_in_dim3A_53], %gather3A_385 : memref<512x4xf32, #tpu.memory_space<vmem>>[vector<16xi32>, vector<16xi32>], vector<16xf32>,
    tpu.vector_store_idx %arg16[%add3A_389, %broadcast_in_dim3A_55], %gather3A_386 : memref<512x4xf32, #tpu.memory_space<vmem>>[vector<16xi32>, vector<16xi32>], vector<16xf32>,
    %get3A_390 = arith.constant 224 : index
    %get3A_391 = tpu.vector_load %arg11[%get3A_390] {strides = array<i32>} : memref<512xi32, #tpu.memory_space<vmem>>, vector<16xi32>,
    %get3A_392 = arith.constant 224 : index
    %get3A_393 = tpu.vector_load %arg12[%get3A_392] {strides = array<i32>} : memref<512xi32, #tpu.memory_space<vmem>>, vector<16xi32>,
    %add3A_394 = arith.constant 1000 : i32
    %add3A_395 = vector.broadcast %add3A_394 : i32 to vector<16xi32>
    %add3A_396 = arith.addi %get3A_393, %add3A_395 : vector<16xi32>
    %get3A_397 = arith.constant 224 : index
    %get3A_398 = tpu.vector_load %arg13[%get3A_397] {strides = array<i32>} : memref<512xi32, #tpu.memory_space<vmem>>, vector<16xi32>,
    %add3A_399 = arith.constant 1016 : i32
    %add3A_400 = vector.broadcast %add3A_399 : i32 to vector<16xi32>
    %add3A_401 = arith.addi %get3A_398, %add3A_400 : vector<16xi32>
    %get3A_402 = arith.constant 224 : index
    %get3A_403 = tpu.vector_load %arg14[%get3A_402] {strides = array<i32>} : memref<512xi32, #tpu.memory_space<vmem>>, vector<16xi32>,
    %add3A_404 = arith.constant 1386 : i32
    %add3A_405 = vector.broadcast %add3A_404 : i32 to vector<16xi32>
    %add3A_406 = arith.addi %get3A_403, %add3A_405 : vector<16xi32>
    %gather3A_407 = tpu.vector_load_idx %arg15[%get3A_391] : memref<1480xf32, #tpu.memory_space<vmem>>[vector<16xi32>], vector<16xf32>,
    %gather3A_408 = tpu.vector_load_idx %arg15[%add3A_396] : memref<1480xf32, #tpu.memory_space<vmem>>[vector<16xi32>], vector<16xf32>,
    %gather3A_409 = tpu.vector_load_idx %arg15[%add3A_401] : memref<1480xf32, #tpu.memory_space<vmem>>[vector<16xi32>], vector<16xf32>,
    %gather3A_410 = tpu.vector_load_idx %arg15[%add3A_406] : memref<1480xf32, #tpu.memory_space<vmem>>[vector<16xi32>], vector<16xf32>,
    %add3A_411 = arith.constant 224 : i32
    %add3A_412 = vector.broadcast %add3A_411 : i32 to vector<16xi32>
    %add3A_413 = arith.addi %iota3A, %add3A_412 : vector<16xi32>
    tpu.vector_store_idx %arg16[%add3A_413, %broadcast_in_dim3A_49], %gather3A_407 : memref<512x4xf32, #tpu.memory_space<vmem>>[vector<16xi32>, vector<16xi32>], vector<16xf32>,
    tpu.vector_store_idx %arg16[%add3A_413, %broadcast_in_dim3A_51], %gather3A_408 : memref<512x4xf32, #tpu.memory_space<vmem>>[vector<16xi32>, vector<16xi32>], vector<16xf32>,
    tpu.vector_store_idx %arg16[%add3A_413, %broadcast_in_dim3A_53], %gather3A_409 : memref<512x4xf32, #tpu.memory_space<vmem>>[vector<16xi32>, vector<16xi32>], vector<16xf32>,
    tpu.vector_store_idx %arg16[%add3A_413, %broadcast_in_dim3A_55], %gather3A_410 : memref<512x4xf32, #tpu.memory_space<vmem>>[vector<16xi32>, vector<16xi32>], vector<16xf32>,
    %get3A_414 = arith.constant 240 : index
    %get3A_415 = tpu.vector_load %arg11[%get3A_414] {strides = array<i32>} : memref<512xi32, #tpu.memory_space<vmem>>, vector<16xi32>,
    %get3A_416 = arith.constant 240 : index
    %get3A_417 = tpu.vector_load %arg12[%get3A_416] {strides = array<i32>} : memref<512xi32, #tpu.memory_space<vmem>>, vector<16xi32>,
    %add3A_418 = arith.constant 1000 : i32
    %add3A_419 = vector.broadcast %add3A_418 : i32 to vector<16xi32>
    %add3A_420 = arith.addi %get3A_417, %add3A_419 : vector<16xi32>
    %get3A_421 = arith.constant 240 : index
    %get3A_422 = tpu.vector_load %arg13[%get3A_421] {strides = array<i32>} : memref<512xi32, #tpu.memory_space<vmem>>, vector<16xi32>,
    %add3A_423 = arith.constant 1016 : i32
    %add3A_424 = vector.broadcast %add3A_423 : i32 to vector<16xi32>
    %add3A_425 = arith.addi %get3A_422, %add3A_424 : vector<16xi32>
    %get3A_426 = arith.constant 240 : index
    %get3A_427 = tpu.vector_load %arg14[%get3A_426] {strides = array<i32>} : memref<512xi32, #tpu.memory_space<vmem>>, vector<16xi32>,
    %add3A_428 = arith.constant 1386 : i32
    %add3A_429 = vector.broadcast %add3A_428 : i32 to vector<16xi32>
    %add3A_430 = arith.addi %get3A_427, %add3A_429 : vector<16xi32>
    %gather3A_431 = tpu.vector_load_idx %arg15[%get3A_415] : memref<1480xf32, #tpu.memory_space<vmem>>[vector<16xi32>], vector<16xf32>,
    %gather3A_432 = tpu.vector_load_idx %arg15[%add3A_420] : memref<1480xf32, #tpu.memory_space<vmem>>[vector<16xi32>], vector<16xf32>,
    %gather3A_433 = tpu.vector_load_idx %arg15[%add3A_425] : memref<1480xf32, #tpu.memory_space<vmem>>[vector<16xi32>], vector<16xf32>,
    %gather3A_434 = tpu.vector_load_idx %arg15[%add3A_430] : memref<1480xf32, #tpu.memory_space<vmem>>[vector<16xi32>], vector<16xf32>,
    %add3A_435 = arith.constant 240 : i32
    %add3A_436 = vector.broadcast %add3A_435 : i32 to vector<16xi32>
    %add3A_437 = arith.addi %iota3A, %add3A_436 : vector<16xi32>
    tpu.vector_store_idx %arg16[%add3A_437, %broadcast_in_dim3A_49], %gather3A_431 : memref<512x4xf32, #tpu.memory_space<vmem>>[vector<16xi32>, vector<16xi32>], vector<16xf32>,
    tpu.vector_store_idx %arg16[%add3A_437, %broadcast_in_dim3A_51], %gather3A_432 : memref<512x4xf32, #tpu.memory_space<vmem>>[vector<16xi32>, vector<16xi32>], vector<16xf32>,
    tpu.vector_store_idx %arg16[%add3A_437, %broadcast_in_dim3A_53], %gather3A_433 : memref<512x4xf32, #tpu.memory_space<vmem>>[vector<16xi32>, vector<16xi32>], vector<16xf32>,
    tpu.vector_store_idx %arg16[%add3A_437, %broadcast_in_dim3A_55], %gather3A_434 : memref<512x4xf32, #tpu.memory_space<vmem>>[vector<16xi32>, vector<16xi32>], vector<16xf32>,
    %dma_start3A_438 = arith.constant 0 : i32
    %dma_start3A_439 = arith.constant 0 : i32
    %dma_start3A_440 = tpu.memref_slice %arg16[%dma_start3A_438, %dma_start3A_439] : memref<512x4xf32, #tpu.memory_space<vmem>> -> memref<256x4xf32, #tpu.memory_space<vmem>>
    %dma_start3A_441 = arith.constant 0 : i32
    %dma_start3A_442 = tpu.memref_slice %arg10[%mul3A_2, %dma_start3A_441] : memref<16384x4xf32, #tpu.memory_space<hbm>> -> memref<256x4xf32, #tpu.memory_space<hbm>>
    %dma_start3A_443 = arith.constant 0 : i32
    %dma_start3A_444 = tpu.memref_slice %arg10[%mul3A_2, %dma_start3A_443] : memref<16384x4xf32, #tpu.memory_space<hbm>> -> memref<256x4xf32, #tpu.memory_space<hbm>>
    %dma_start3A_445 = arith.constant 0 : i32
    %dma_start3A_446 = arith.constant 0 : i32
    %dma_start3A_447 = tpu.memref_slice %arg16[%dma_start3A_445, %dma_start3A_446] : memref<512x4xf32, #tpu.memory_space<vmem>> -> memref<256x4xf32, #tpu.memory_space<vmem>>
    tpu.enqueue_dma source(%dma_start3A_447 : memref<256x4xf32, #tpu.memory_space<vmem>>) target(%dma_start3A_444 : memref<256x4xf32, #tpu.memory_space<hbm>>) target_semaphore(%arg18 : memref<!tpu.dma_semaphore, #tpu.memory_space<semaphore_mem>>)
    %get3A_448 = arith.constant 256 : index
    %get3A_449 = tpu.vector_load %arg11[%get3A_448] {strides = array<i32>} : memref<512xi32, #tpu.memory_space<vmem>>, vector<16xi32>,
    %get3A_450 = arith.constant 256 : index
    %get3A_451 = tpu.vector_load %arg12[%get3A_450] {strides = array<i32>} : memref<512xi32, #tpu.memory_space<vmem>>, vector<16xi32>,
    %add3A_452 = arith.constant 1000 : i32
    %add3A_453 = vector.broadcast %add3A_452 : i32 to vector<16xi32>
    %add3A_454 = arith.addi %get3A_451, %add3A_453 : vector<16xi32>
    %get3A_455 = arith.constant 256 : index
    %get3A_456 = tpu.vector_load %arg13[%get3A_455] {strides = array<i32>} : memref<512xi32, #tpu.memory_space<vmem>>, vector<16xi32>,
    %add3A_457 = arith.constant 1016 : i32
    %add3A_458 = vector.broadcast %add3A_457 : i32 to vector<16xi32>
    %add3A_459 = arith.addi %get3A_456, %add3A_458 : vector<16xi32>
    %get3A_460 = arith.constant 256 : index
    %get3A_461 = tpu.vector_load %arg14[%get3A_460] {strides = array<i32>} : memref<512xi32, #tpu.memory_space<vmem>>, vector<16xi32>,
    %add3A_462 = arith.constant 1386 : i32
    %add3A_463 = vector.broadcast %add3A_462 : i32 to vector<16xi32>
    %add3A_464 = arith.addi %get3A_461, %add3A_463 : vector<16xi32>
    %gather3A_465 = tpu.vector_load_idx %arg15[%get3A_449] : memref<1480xf32, #tpu.memory_space<vmem>>[vector<16xi32>], vector<16xf32>,
    %gather3A_466 = tpu.vector_load_idx %arg15[%add3A_454] : memref<1480xf32, #tpu.memory_space<vmem>>[vector<16xi32>], vector<16xf32>,
    %gather3A_467 = tpu.vector_load_idx %arg15[%add3A_459] : memref<1480xf32, #tpu.memory_space<vmem>>[vector<16xi32>], vector<16xf32>,
    %gather3A_468 = tpu.vector_load_idx %arg15[%add3A_464] : memref<1480xf32, #tpu.memory_space<vmem>>[vector<16xi32>], vector<16xf32>,
    %add3A_469 = arith.constant 256 : i32
    %add3A_470 = vector.broadcast %add3A_469 : i32 to vector<16xi32>
    %add3A_471 = arith.addi %iota3A, %add3A_470 : vector<16xi32>
    tpu.vector_store_idx %arg16[%add3A_471, %broadcast_in_dim3A_49], %gather3A_465 : memref<512x4xf32, #tpu.memory_space<vmem>>[vector<16xi32>, vector<16xi32>], vector<16xf32>,
    tpu.vector_store_idx %arg16[%add3A_471, %broadcast_in_dim3A_51], %gather3A_466 : memref<512x4xf32, #tpu.memory_space<vmem>>[vector<16xi32>, vector<16xi32>], vector<16xf32>,
    tpu.vector_store_idx %arg16[%add3A_471, %broadcast_in_dim3A_53], %gather3A_467 : memref<512x4xf32, #tpu.memory_space<vmem>>[vector<16xi32>, vector<16xi32>], vector<16xf32>,
    tpu.vector_store_idx %arg16[%add3A_471, %broadcast_in_dim3A_55], %gather3A_468 : memref<512x4xf32, #tpu.memory_space<vmem>>[vector<16xi32>, vector<16xi32>], vector<16xf32>,
    %get3A_472 = arith.constant 272 : index
    %get3A_473 = tpu.vector_load %arg11[%get3A_472] {strides = array<i32>} : memref<512xi32, #tpu.memory_space<vmem>>, vector<16xi32>,
    %get3A_474 = arith.constant 272 : index
    %get3A_475 = tpu.vector_load %arg12[%get3A_474] {strides = array<i32>} : memref<512xi32, #tpu.memory_space<vmem>>, vector<16xi32>,
    %add3A_476 = arith.constant 1000 : i32
    %add3A_477 = vector.broadcast %add3A_476 : i32 to vector<16xi32>
    %add3A_478 = arith.addi %get3A_475, %add3A_477 : vector<16xi32>
    %get3A_479 = arith.constant 272 : index
    %get3A_480 = tpu.vector_load %arg13[%get3A_479] {strides = array<i32>} : memref<512xi32, #tpu.memory_space<vmem>>, vector<16xi32>,
    %add3A_481 = arith.constant 1016 : i32
    %add3A_482 = vector.broadcast %add3A_481 : i32 to vector<16xi32>
    %add3A_483 = arith.addi %get3A_480, %add3A_482 : vector<16xi32>
    %get3A_484 = arith.constant 272 : index
    %get3A_485 = tpu.vector_load %arg14[%get3A_484] {strides = array<i32>} : memref<512xi32, #tpu.memory_space<vmem>>, vector<16xi32>,
    %add3A_486 = arith.constant 1386 : i32
    %add3A_487 = vector.broadcast %add3A_486 : i32 to vector<16xi32>
    %add3A_488 = arith.addi %get3A_485, %add3A_487 : vector<16xi32>
    %gather3A_489 = tpu.vector_load_idx %arg15[%get3A_473] : memref<1480xf32, #tpu.memory_space<vmem>>[vector<16xi32>], vector<16xf32>,
    %gather3A_490 = tpu.vector_load_idx %arg15[%add3A_478] : memref<1480xf32, #tpu.memory_space<vmem>>[vector<16xi32>], vector<16xf32>,
    %gather3A_491 = tpu.vector_load_idx %arg15[%add3A_483] : memref<1480xf32, #tpu.memory_space<vmem>>[vector<16xi32>], vector<16xf32>,
    %gather3A_492 = tpu.vector_load_idx %arg15[%add3A_488] : memref<1480xf32, #tpu.memory_space<vmem>>[vector<16xi32>], vector<16xf32>,
    %add3A_493 = arith.constant 272 : i32
    %add3A_494 = vector.broadcast %add3A_493 : i32 to vector<16xi32>
    %add3A_495 = arith.addi %iota3A, %add3A_494 : vector<16xi32>
    tpu.vector_store_idx %arg16[%add3A_495, %broadcast_in_dim3A_49], %gather3A_489 : memref<512x4xf32, #tpu.memory_space<vmem>>[vector<16xi32>, vector<16xi32>], vector<16xf32>,
    tpu.vector_store_idx %arg16[%add3A_495, %broadcast_in_dim3A_51], %gather3A_490 : memref<512x4xf32, #tpu.memory_space<vmem>>[vector<16xi32>, vector<16xi32>], vector<16xf32>,
    tpu.vector_store_idx %arg16[%add3A_495, %broadcast_in_dim3A_53], %gather3A_491 : memref<512x4xf32, #tpu.memory_space<vmem>>[vector<16xi32>, vector<16xi32>], vector<16xf32>,
    tpu.vector_store_idx %arg16[%add3A_495, %broadcast_in_dim3A_55], %gather3A_492 : memref<512x4xf32, #tpu.memory_space<vmem>>[vector<16xi32>, vector<16xi32>], vector<16xf32>,
    %get3A_496 = arith.constant 288 : index
    %get3A_497 = tpu.vector_load %arg11[%get3A_496] {strides = array<i32>} : memref<512xi32, #tpu.memory_space<vmem>>, vector<16xi32>,
    %get3A_498 = arith.constant 288 : index
    %get3A_499 = tpu.vector_load %arg12[%get3A_498] {strides = array<i32>} : memref<512xi32, #tpu.memory_space<vmem>>, vector<16xi32>,
    %add3A_500 = arith.constant 1000 : i32
    %add3A_501 = vector.broadcast %add3A_500 : i32 to vector<16xi32>
    %add3A_502 = arith.addi %get3A_499, %add3A_501 : vector<16xi32>
    %get3A_503 = arith.constant 288 : index
    %get3A_504 = tpu.vector_load %arg13[%get3A_503] {strides = array<i32>} : memref<512xi32, #tpu.memory_space<vmem>>, vector<16xi32>,
    %add3A_505 = arith.constant 1016 : i32
    %add3A_506 = vector.broadcast %add3A_505 : i32 to vector<16xi32>
    %add3A_507 = arith.addi %get3A_504, %add3A_506 : vector<16xi32>
    %get3A_508 = arith.constant 288 : index
    %get3A_509 = tpu.vector_load %arg14[%get3A_508] {strides = array<i32>} : memref<512xi32, #tpu.memory_space<vmem>>, vector<16xi32>,
    %add3A_510 = arith.constant 1386 : i32
    %add3A_511 = vector.broadcast %add3A_510 : i32 to vector<16xi32>
    %add3A_512 = arith.addi %get3A_509, %add3A_511 : vector<16xi32>
    %gather3A_513 = tpu.vector_load_idx %arg15[%get3A_497] : memref<1480xf32, #tpu.memory_space<vmem>>[vector<16xi32>], vector<16xf32>,
    %gather3A_514 = tpu.vector_load_idx %arg15[%add3A_502] : memref<1480xf32, #tpu.memory_space<vmem>>[vector<16xi32>], vector<16xf32>,
    %gather3A_515 = tpu.vector_load_idx %arg15[%add3A_507] : memref<1480xf32, #tpu.memory_space<vmem>>[vector<16xi32>], vector<16xf32>,
    %gather3A_516 = tpu.vector_load_idx %arg15[%add3A_512] : memref<1480xf32, #tpu.memory_space<vmem>>[vector<16xi32>], vector<16xf32>,
    %add3A_517 = arith.constant 288 : i32
    %add3A_518 = vector.broadcast %add3A_517 : i32 to vector<16xi32>
    %add3A_519 = arith.addi %iota3A, %add3A_518 : vector<16xi32>
    tpu.vector_store_idx %arg16[%add3A_519, %broadcast_in_dim3A_49], %gather3A_513 : memref<512x4xf32, #tpu.memory_space<vmem>>[vector<16xi32>, vector<16xi32>], vector<16xf32>,
    tpu.vector_store_idx %arg16[%add3A_519, %broadcast_in_dim3A_51], %gather3A_514 : memref<512x4xf32, #tpu.memory_space<vmem>>[vector<16xi32>, vector<16xi32>], vector<16xf32>,
    tpu.vector_store_idx %arg16[%add3A_519, %broadcast_in_dim3A_53], %gather3A_515 : memref<512x4xf32, #tpu.memory_space<vmem>>[vector<16xi32>, vector<16xi32>], vector<16xf32>,
    tpu.vector_store_idx %arg16[%add3A_519, %broadcast_in_dim3A_55], %gather3A_516 : memref<512x4xf32, #tpu.memory_space<vmem>>[vector<16xi32>, vector<16xi32>], vector<16xf32>,
    %get3A_520 = arith.constant 304 : index
    %get3A_521 = tpu.vector_load %arg11[%get3A_520] {strides = array<i32>} : memref<512xi32, #tpu.memory_space<vmem>>, vector<16xi32>,
    %get3A_522 = arith.constant 304 : index
    %get3A_523 = tpu.vector_load %arg12[%get3A_522] {strides = array<i32>} : memref<512xi32, #tpu.memory_space<vmem>>, vector<16xi32>,
    %add3A_524 = arith.constant 1000 : i32
    %add3A_525 = vector.broadcast %add3A_524 : i32 to vector<16xi32>
    %add3A_526 = arith.addi %get3A_523, %add3A_525 : vector<16xi32>
    %get3A_527 = arith.constant 304 : index
    %get3A_528 = tpu.vector_load %arg13[%get3A_527] {strides = array<i32>} : memref<512xi32, #tpu.memory_space<vmem>>, vector<16xi32>,
    %add3A_529 = arith.constant 1016 : i32
    %add3A_530 = vector.broadcast %add3A_529 : i32 to vector<16xi32>
    %add3A_531 = arith.addi %get3A_528, %add3A_530 : vector<16xi32>
    %get3A_532 = arith.constant 304 : index
    %get3A_533 = tpu.vector_load %arg14[%get3A_532] {strides = array<i32>} : memref<512xi32, #tpu.memory_space<vmem>>, vector<16xi32>,
    %add3A_534 = arith.constant 1386 : i32
    %add3A_535 = vector.broadcast %add3A_534 : i32 to vector<16xi32>
    %add3A_536 = arith.addi %get3A_533, %add3A_535 : vector<16xi32>
    %gather3A_537 = tpu.vector_load_idx %arg15[%get3A_521] : memref<1480xf32, #tpu.memory_space<vmem>>[vector<16xi32>], vector<16xf32>,
    %gather3A_538 = tpu.vector_load_idx %arg15[%add3A_526] : memref<1480xf32, #tpu.memory_space<vmem>>[vector<16xi32>], vector<16xf32>,
    %gather3A_539 = tpu.vector_load_idx %arg15[%add3A_531] : memref<1480xf32, #tpu.memory_space<vmem>>[vector<16xi32>], vector<16xf32>,
    %gather3A_540 = tpu.vector_load_idx %arg15[%add3A_536] : memref<1480xf32, #tpu.memory_space<vmem>>[vector<16xi32>], vector<16xf32>,
    %add3A_541 = arith.constant 304 : i32
    %add3A_542 = vector.broadcast %add3A_541 : i32 to vector<16xi32>
    %add3A_543 = arith.addi %iota3A, %add3A_542 : vector<16xi32>
    tpu.vector_store_idx %arg16[%add3A_543, %broadcast_in_dim3A_49], %gather3A_537 : memref<512x4xf32, #tpu.memory_space<vmem>>[vector<16xi32>, vector<16xi32>], vector<16xf32>,
    tpu.vector_store_idx %arg16[%add3A_543, %broadcast_in_dim3A_51], %gather3A_538 : memref<512x4xf32, #tpu.memory_space<vmem>>[vector<16xi32>, vector<16xi32>], vector<16xf32>,
    tpu.vector_store_idx %arg16[%add3A_543, %broadcast_in_dim3A_53], %gather3A_539 : memref<512x4xf32, #tpu.memory_space<vmem>>[vector<16xi32>, vector<16xi32>], vector<16xf32>,
    tpu.vector_store_idx %arg16[%add3A_543, %broadcast_in_dim3A_55], %gather3A_540 : memref<512x4xf32, #tpu.memory_space<vmem>>[vector<16xi32>, vector<16xi32>], vector<16xf32>,
    %get3A_544 = arith.constant 320 : index
    %get3A_545 = tpu.vector_load %arg11[%get3A_544] {strides = array<i32>} : memref<512xi32, #tpu.memory_space<vmem>>, vector<16xi32>,
    %get3A_546 = arith.constant 320 : index
    %get3A_547 = tpu.vector_load %arg12[%get3A_546] {strides = array<i32>} : memref<512xi32, #tpu.memory_space<vmem>>, vector<16xi32>,
    %add3A_548 = arith.constant 1000 : i32
    %add3A_549 = vector.broadcast %add3A_548 : i32 to vector<16xi32>
    %add3A_550 = arith.addi %get3A_547, %add3A_549 : vector<16xi32>
    %get3A_551 = arith.constant 320 : index
    %get3A_552 = tpu.vector_load %arg13[%get3A_551] {strides = array<i32>} : memref<512xi32, #tpu.memory_space<vmem>>, vector<16xi32>,
    %add3A_553 = arith.constant 1016 : i32
    %add3A_554 = vector.broadcast %add3A_553 : i32 to vector<16xi32>
    %add3A_555 = arith.addi %get3A_552, %add3A_554 : vector<16xi32>
    %get3A_556 = arith.constant 320 : index
    %get3A_557 = tpu.vector_load %arg14[%get3A_556] {strides = array<i32>} : memref<512xi32, #tpu.memory_space<vmem>>, vector<16xi32>,
    %add3A_558 = arith.constant 1386 : i32
    %add3A_559 = vector.broadcast %add3A_558 : i32 to vector<16xi32>
    %add3A_560 = arith.addi %get3A_557, %add3A_559 : vector<16xi32>
    %gather3A_561 = tpu.vector_load_idx %arg15[%get3A_545] : memref<1480xf32, #tpu.memory_space<vmem>>[vector<16xi32>], vector<16xf32>,
    %gather3A_562 = tpu.vector_load_idx %arg15[%add3A_550] : memref<1480xf32, #tpu.memory_space<vmem>>[vector<16xi32>], vector<16xf32>,
    %gather3A_563 = tpu.vector_load_idx %arg15[%add3A_555] : memref<1480xf32, #tpu.memory_space<vmem>>[vector<16xi32>], vector<16xf32>,
    %gather3A_564 = tpu.vector_load_idx %arg15[%add3A_560] : memref<1480xf32, #tpu.memory_space<vmem>>[vector<16xi32>], vector<16xf32>,
    %add3A_565 = arith.constant 320 : i32
    %add3A_566 = vector.broadcast %add3A_565 : i32 to vector<16xi32>
    %add3A_567 = arith.addi %iota3A, %add3A_566 : vector<16xi32>
    tpu.vector_store_idx %arg16[%add3A_567, %broadcast_in_dim3A_49], %gather3A_561 : memref<512x4xf32, #tpu.memory_space<vmem>>[vector<16xi32>, vector<16xi32>], vector<16xf32>,
    tpu.vector_store_idx %arg16[%add3A_567, %broadcast_in_dim3A_51], %gather3A_562 : memref<512x4xf32, #tpu.memory_space<vmem>>[vector<16xi32>, vector<16xi32>], vector<16xf32>,
    tpu.vector_store_idx %arg16[%add3A_567, %broadcast_in_dim3A_53], %gather3A_563 : memref<512x4xf32, #tpu.memory_space<vmem>>[vector<16xi32>, vector<16xi32>], vector<16xf32>,
    tpu.vector_store_idx %arg16[%add3A_567, %broadcast_in_dim3A_55], %gather3A_564 : memref<512x4xf32, #tpu.memory_space<vmem>>[vector<16xi32>, vector<16xi32>], vector<16xf32>,
    %get3A_568 = arith.constant 336 : index
    %get3A_569 = tpu.vector_load %arg11[%get3A_568] {strides = array<i32>} : memref<512xi32, #tpu.memory_space<vmem>>, vector<16xi32>,
    %get3A_570 = arith.constant 336 : index
    %get3A_571 = tpu.vector_load %arg12[%get3A_570] {strides = array<i32>} : memref<512xi32, #tpu.memory_space<vmem>>, vector<16xi32>,
    %add3A_572 = arith.constant 1000 : i32
    %add3A_573 = vector.broadcast %add3A_572 : i32 to vector<16xi32>
    %add3A_574 = arith.addi %get3A_571, %add3A_573 : vector<16xi32>
    %get3A_575 = arith.constant 336 : index
    %get3A_576 = tpu.vector_load %arg13[%get3A_575] {strides = array<i32>} : memref<512xi32, #tpu.memory_space<vmem>>, vector<16xi32>,
    %add3A_577 = arith.constant 1016 : i32
    %add3A_578 = vector.broadcast %add3A_577 : i32 to vector<16xi32>
    %add3A_579 = arith.addi %get3A_576, %add3A_578 : vector<16xi32>
    %get3A_580 = arith.constant 336 : index
    %get3A_581 = tpu.vector_load %arg14[%get3A_580] {strides = array<i32>} : memref<512xi32, #tpu.memory_space<vmem>>, vector<16xi32>,
    %add3A_582 = arith.constant 1386 : i32
    %add3A_583 = vector.broadcast %add3A_582 : i32 to vector<16xi32>
    %add3A_584 = arith.addi %get3A_581, %add3A_583 : vector<16xi32>
    %gather3A_585 = tpu.vector_load_idx %arg15[%get3A_569] : memref<1480xf32, #tpu.memory_space<vmem>>[vector<16xi32>], vector<16xf32>,
    %gather3A_586 = tpu.vector_load_idx %arg15[%add3A_574] : memref<1480xf32, #tpu.memory_space<vmem>>[vector<16xi32>], vector<16xf32>,
    %gather3A_587 = tpu.vector_load_idx %arg15[%add3A_579] : memref<1480xf32, #tpu.memory_space<vmem>>[vector<16xi32>], vector<16xf32>,
    %gather3A_588 = tpu.vector_load_idx %arg15[%add3A_584] : memref<1480xf32, #tpu.memory_space<vmem>>[vector<16xi32>], vector<16xf32>,
    %add3A_589 = arith.constant 336 : i32
    %add3A_590 = vector.broadcast %add3A_589 : i32 to vector<16xi32>
    %add3A_591 = arith.addi %iota3A, %add3A_590 : vector<16xi32>
    tpu.vector_store_idx %arg16[%add3A_591, %broadcast_in_dim3A_49], %gather3A_585 : memref<512x4xf32, #tpu.memory_space<vmem>>[vector<16xi32>, vector<16xi32>], vector<16xf32>,
    tpu.vector_store_idx %arg16[%add3A_591, %broadcast_in_dim3A_51], %gather3A_586 : memref<512x4xf32, #tpu.memory_space<vmem>>[vector<16xi32>, vector<16xi32>], vector<16xf32>,
    tpu.vector_store_idx %arg16[%add3A_591, %broadcast_in_dim3A_53], %gather3A_587 : memref<512x4xf32, #tpu.memory_space<vmem>>[vector<16xi32>, vector<16xi32>], vector<16xf32>,
    tpu.vector_store_idx %arg16[%add3A_591, %broadcast_in_dim3A_55], %gather3A_588 : memref<512x4xf32, #tpu.memory_space<vmem>>[vector<16xi32>, vector<16xi32>], vector<16xf32>,
    %get3A_592 = arith.constant 352 : index
    %get3A_593 = tpu.vector_load %arg11[%get3A_592] {strides = array<i32>} : memref<512xi32, #tpu.memory_space<vmem>>, vector<16xi32>,
    %get3A_594 = arith.constant 352 : index
    %get3A_595 = tpu.vector_load %arg12[%get3A_594] {strides = array<i32>} : memref<512xi32, #tpu.memory_space<vmem>>, vector<16xi32>,
    %add3A_596 = arith.constant 1000 : i32
    %add3A_597 = vector.broadcast %add3A_596 : i32 to vector<16xi32>
    %add3A_598 = arith.addi %get3A_595, %add3A_597 : vector<16xi32>
    %get3A_599 = arith.constant 352 : index
    %get3A_600 = tpu.vector_load %arg13[%get3A_599] {strides = array<i32>} : memref<512xi32, #tpu.memory_space<vmem>>, vector<16xi32>,
    %add3A_601 = arith.constant 1016 : i32
    %add3A_602 = vector.broadcast %add3A_601 : i32 to vector<16xi32>
    %add3A_603 = arith.addi %get3A_600, %add3A_602 : vector<16xi32>
    %get3A_604 = arith.constant 352 : index
    %get3A_605 = tpu.vector_load %arg14[%get3A_604] {strides = array<i32>} : memref<512xi32, #tpu.memory_space<vmem>>, vector<16xi32>,
    %add3A_606 = arith.constant 1386 : i32
    %add3A_607 = vector.broadcast %add3A_606 : i32 to vector<16xi32>
    %add3A_608 = arith.addi %get3A_605, %add3A_607 : vector<16xi32>
    %gather3A_609 = tpu.vector_load_idx %arg15[%get3A_593] : memref<1480xf32, #tpu.memory_space<vmem>>[vector<16xi32>], vector<16xf32>,
    %gather3A_610 = tpu.vector_load_idx %arg15[%add3A_598] : memref<1480xf32, #tpu.memory_space<vmem>>[vector<16xi32>], vector<16xf32>,
    %gather3A_611 = tpu.vector_load_idx %arg15[%add3A_603] : memref<1480xf32, #tpu.memory_space<vmem>>[vector<16xi32>], vector<16xf32>,
    %gather3A_612 = tpu.vector_load_idx %arg15[%add3A_608] : memref<1480xf32, #tpu.memory_space<vmem>>[vector<16xi32>], vector<16xf32>,
    %add3A_613 = arith.constant 352 : i32
    %add3A_614 = vector.broadcast %add3A_613 : i32 to vector<16xi32>
    %add3A_615 = arith.addi %iota3A, %add3A_614 : vector<16xi32>
    tpu.vector_store_idx %arg16[%add3A_615, %broadcast_in_dim3A_49], %gather3A_609 : memref<512x4xf32, #tpu.memory_space<vmem>>[vector<16xi32>, vector<16xi32>], vector<16xf32>,
    tpu.vector_store_idx %arg16[%add3A_615, %broadcast_in_dim3A_51], %gather3A_610 : memref<512x4xf32, #tpu.memory_space<vmem>>[vector<16xi32>, vector<16xi32>], vector<16xf32>,
    tpu.vector_store_idx %arg16[%add3A_615, %broadcast_in_dim3A_53], %gather3A_611 : memref<512x4xf32, #tpu.memory_space<vmem>>[vector<16xi32>, vector<16xi32>], vector<16xf32>,
    tpu.vector_store_idx %arg16[%add3A_615, %broadcast_in_dim3A_55], %gather3A_612 : memref<512x4xf32, #tpu.memory_space<vmem>>[vector<16xi32>, vector<16xi32>], vector<16xf32>,
    %get3A_616 = arith.constant 368 : index
    %get3A_617 = tpu.vector_load %arg11[%get3A_616] {strides = array<i32>} : memref<512xi32, #tpu.memory_space<vmem>>, vector<16xi32>,
    %get3A_618 = arith.constant 368 : index
    %get3A_619 = tpu.vector_load %arg12[%get3A_618] {strides = array<i32>} : memref<512xi32, #tpu.memory_space<vmem>>, vector<16xi32>,
    %add3A_620 = arith.constant 1000 : i32
    %add3A_621 = vector.broadcast %add3A_620 : i32 to vector<16xi32>
    %add3A_622 = arith.addi %get3A_619, %add3A_621 : vector<16xi32>
    %get3A_623 = arith.constant 368 : index
    %get3A_624 = tpu.vector_load %arg13[%get3A_623] {strides = array<i32>} : memref<512xi32, #tpu.memory_space<vmem>>, vector<16xi32>,
    %add3A_625 = arith.constant 1016 : i32
    %add3A_626 = vector.broadcast %add3A_625 : i32 to vector<16xi32>
    %add3A_627 = arith.addi %get3A_624, %add3A_626 : vector<16xi32>
    %get3A_628 = arith.constant 368 : index
    %get3A_629 = tpu.vector_load %arg14[%get3A_628] {strides = array<i32>} : memref<512xi32, #tpu.memory_space<vmem>>, vector<16xi32>,
    %add3A_630 = arith.constant 1386 : i32
    %add3A_631 = vector.broadcast %add3A_630 : i32 to vector<16xi32>
    %add3A_632 = arith.addi %get3A_629, %add3A_631 : vector<16xi32>
    %gather3A_633 = tpu.vector_load_idx %arg15[%get3A_617] : memref<1480xf32, #tpu.memory_space<vmem>>[vector<16xi32>], vector<16xf32>,
    %gather3A_634 = tpu.vector_load_idx %arg15[%add3A_622] : memref<1480xf32, #tpu.memory_space<vmem>>[vector<16xi32>], vector<16xf32>,
    %gather3A_635 = tpu.vector_load_idx %arg15[%add3A_627] : memref<1480xf32, #tpu.memory_space<vmem>>[vector<16xi32>], vector<16xf32>,
    %gather3A_636 = tpu.vector_load_idx %arg15[%add3A_632] : memref<1480xf32, #tpu.memory_space<vmem>>[vector<16xi32>], vector<16xf32>,
    %add3A_637 = arith.constant 368 : i32
    %add3A_638 = vector.broadcast %add3A_637 : i32 to vector<16xi32>
    %add3A_639 = arith.addi %iota3A, %add3A_638 : vector<16xi32>
    tpu.vector_store_idx %arg16[%add3A_639, %broadcast_in_dim3A_49], %gather3A_633 : memref<512x4xf32, #tpu.memory_space<vmem>>[vector<16xi32>, vector<16xi32>], vector<16xf32>,
    tpu.vector_store_idx %arg16[%add3A_639, %broadcast_in_dim3A_51], %gather3A_634 : memref<512x4xf32, #tpu.memory_space<vmem>>[vector<16xi32>, vector<16xi32>], vector<16xf32>,
    tpu.vector_store_idx %arg16[%add3A_639, %broadcast_in_dim3A_53], %gather3A_635 : memref<512x4xf32, #tpu.memory_space<vmem>>[vector<16xi32>, vector<16xi32>], vector<16xf32>,
    tpu.vector_store_idx %arg16[%add3A_639, %broadcast_in_dim3A_55], %gather3A_636 : memref<512x4xf32, #tpu.memory_space<vmem>>[vector<16xi32>, vector<16xi32>], vector<16xf32>,
    %get3A_640 = arith.constant 384 : index
    %get3A_641 = tpu.vector_load %arg11[%get3A_640] {strides = array<i32>} : memref<512xi32, #tpu.memory_space<vmem>>, vector<16xi32>,
    %get3A_642 = arith.constant 384 : index
    %get3A_643 = tpu.vector_load %arg12[%get3A_642] {strides = array<i32>} : memref<512xi32, #tpu.memory_space<vmem>>, vector<16xi32>,
    %add3A_644 = arith.constant 1000 : i32
    %add3A_645 = vector.broadcast %add3A_644 : i32 to vector<16xi32>
    %add3A_646 = arith.addi %get3A_643, %add3A_645 : vector<16xi32>
    %get3A_647 = arith.constant 384 : index
    %get3A_648 = tpu.vector_load %arg13[%get3A_647] {strides = array<i32>} : memref<512xi32, #tpu.memory_space<vmem>>, vector<16xi32>,
    %add3A_649 = arith.constant 1016 : i32
    %add3A_650 = vector.broadcast %add3A_649 : i32 to vector<16xi32>
    %add3A_651 = arith.addi %get3A_648, %add3A_650 : vector<16xi32>
    %get3A_652 = arith.constant 384 : index
    %get3A_653 = tpu.vector_load %arg14[%get3A_652] {strides = array<i32>} : memref<512xi32, #tpu.memory_space<vmem>>, vector<16xi32>,
    %add3A_654 = arith.constant 1386 : i32
    %add3A_655 = vector.broadcast %add3A_654 : i32 to vector<16xi32>
    %add3A_656 = arith.addi %get3A_653, %add3A_655 : vector<16xi32>
    %gather3A_657 = tpu.vector_load_idx %arg15[%get3A_641] : memref<1480xf32, #tpu.memory_space<vmem>>[vector<16xi32>], vector<16xf32>,
    %gather3A_658 = tpu.vector_load_idx %arg15[%add3A_646] : memref<1480xf32, #tpu.memory_space<vmem>>[vector<16xi32>], vector<16xf32>,
    %gather3A_659 = tpu.vector_load_idx %arg15[%add3A_651] : memref<1480xf32, #tpu.memory_space<vmem>>[vector<16xi32>], vector<16xf32>,
    %gather3A_660 = tpu.vector_load_idx %arg15[%add3A_656] : memref<1480xf32, #tpu.memory_space<vmem>>[vector<16xi32>], vector<16xf32>,
    %add3A_661 = arith.constant 384 : i32
    %add3A_662 = vector.broadcast %add3A_661 : i32 to vector<16xi32>
    %add3A_663 = arith.addi %iota3A, %add3A_662 : vector<16xi32>
    tpu.vector_store_idx %arg16[%add3A_663, %broadcast_in_dim3A_49], %gather3A_657 : memref<512x4xf32, #tpu.memory_space<vmem>>[vector<16xi32>, vector<16xi32>], vector<16xf32>,
    tpu.vector_store_idx %arg16[%add3A_663, %broadcast_in_dim3A_51], %gather3A_658 : memref<512x4xf32, #tpu.memory_space<vmem>>[vector<16xi32>, vector<16xi32>], vector<16xf32>,
    tpu.vector_store_idx %arg16[%add3A_663, %broadcast_in_dim3A_53], %gather3A_659 : memref<512x4xf32, #tpu.memory_space<vmem>>[vector<16xi32>, vector<16xi32>], vector<16xf32>,
    tpu.vector_store_idx %arg16[%add3A_663, %broadcast_in_dim3A_55], %gather3A_660 : memref<512x4xf32, #tpu.memory_space<vmem>>[vector<16xi32>, vector<16xi32>], vector<16xf32>,
    %get3A_664 = arith.constant 400 : index
    %get3A_665 = tpu.vector_load %arg11[%get3A_664] {strides = array<i32>} : memref<512xi32, #tpu.memory_space<vmem>>, vector<16xi32>,
    %get3A_666 = arith.constant 400 : index
    %get3A_667 = tpu.vector_load %arg12[%get3A_666] {strides = array<i32>} : memref<512xi32, #tpu.memory_space<vmem>>, vector<16xi32>,
    %add3A_668 = arith.constant 1000 : i32
    %add3A_669 = vector.broadcast %add3A_668 : i32 to vector<16xi32>
    %add3A_670 = arith.addi %get3A_667, %add3A_669 : vector<16xi32>
    %get3A_671 = arith.constant 400 : index
    %get3A_672 = tpu.vector_load %arg13[%get3A_671] {strides = array<i32>} : memref<512xi32, #tpu.memory_space<vmem>>, vector<16xi32>,
    %add3A_673 = arith.constant 1016 : i32
    %add3A_674 = vector.broadcast %add3A_673 : i32 to vector<16xi32>
    %add3A_675 = arith.addi %get3A_672, %add3A_674 : vector<16xi32>
    %get3A_676 = arith.constant 400 : index
    %get3A_677 = tpu.vector_load %arg14[%get3A_676] {strides = array<i32>} : memref<512xi32, #tpu.memory_space<vmem>>, vector<16xi32>,
    %add3A_678 = arith.constant 1386 : i32
    %add3A_679 = vector.broadcast %add3A_678 : i32 to vector<16xi32>
    %add3A_680 = arith.addi %get3A_677, %add3A_679 : vector<16xi32>
    %gather3A_681 = tpu.vector_load_idx %arg15[%get3A_665] : memref<1480xf32, #tpu.memory_space<vmem>>[vector<16xi32>], vector<16xf32>,
    %gather3A_682 = tpu.vector_load_idx %arg15[%add3A_670] : memref<1480xf32, #tpu.memory_space<vmem>>[vector<16xi32>], vector<16xf32>,
    %gather3A_683 = tpu.vector_load_idx %arg15[%add3A_675] : memref<1480xf32, #tpu.memory_space<vmem>>[vector<16xi32>], vector<16xf32>,
    %gather3A_684 = tpu.vector_load_idx %arg15[%add3A_680] : memref<1480xf32, #tpu.memory_space<vmem>>[vector<16xi32>], vector<16xf32>,
    %add3A_685 = arith.constant 400 : i32
    %add3A_686 = vector.broadcast %add3A_685 : i32 to vector<16xi32>
    %add3A_687 = arith.addi %iota3A, %add3A_686 : vector<16xi32>
    tpu.vector_store_idx %arg16[%add3A_687, %broadcast_in_dim3A_49], %gather3A_681 : memref<512x4xf32, #tpu.memory_space<vmem>>[vector<16xi32>, vector<16xi32>], vector<16xf32>,
    tpu.vector_store_idx %arg16[%add3A_687, %broadcast_in_dim3A_51], %gather3A_682 : memref<512x4xf32, #tpu.memory_space<vmem>>[vector<16xi32>, vector<16xi32>], vector<16xf32>,
    tpu.vector_store_idx %arg16[%add3A_687, %broadcast_in_dim3A_53], %gather3A_683 : memref<512x4xf32, #tpu.memory_space<vmem>>[vector<16xi32>, vector<16xi32>], vector<16xf32>,
    tpu.vector_store_idx %arg16[%add3A_687, %broadcast_in_dim3A_55], %gather3A_684 : memref<512x4xf32, #tpu.memory_space<vmem>>[vector<16xi32>, vector<16xi32>], vector<16xf32>,
    %get3A_688 = arith.constant 416 : index
    %get3A_689 = tpu.vector_load %arg11[%get3A_688] {strides = array<i32>} : memref<512xi32, #tpu.memory_space<vmem>>, vector<16xi32>,
    %get3A_690 = arith.constant 416 : index
    %get3A_691 = tpu.vector_load %arg12[%get3A_690] {strides = array<i32>} : memref<512xi32, #tpu.memory_space<vmem>>, vector<16xi32>,
    %add3A_692 = arith.constant 1000 : i32
    %add3A_693 = vector.broadcast %add3A_692 : i32 to vector<16xi32>
    %add3A_694 = arith.addi %get3A_691, %add3A_693 : vector<16xi32>
    %get3A_695 = arith.constant 416 : index
    %get3A_696 = tpu.vector_load %arg13[%get3A_695] {strides = array<i32>} : memref<512xi32, #tpu.memory_space<vmem>>, vector<16xi32>,
    %add3A_697 = arith.constant 1016 : i32
    %add3A_698 = vector.broadcast %add3A_697 : i32 to vector<16xi32>
    %add3A_699 = arith.addi %get3A_696, %add3A_698 : vector<16xi32>
    %get3A_700 = arith.constant 416 : index
    %get3A_701 = tpu.vector_load %arg14[%get3A_700] {strides = array<i32>} : memref<512xi32, #tpu.memory_space<vmem>>, vector<16xi32>,
    %add3A_702 = arith.constant 1386 : i32
    %add3A_703 = vector.broadcast %add3A_702 : i32 to vector<16xi32>
    %add3A_704 = arith.addi %get3A_701, %add3A_703 : vector<16xi32>
    %gather3A_705 = tpu.vector_load_idx %arg15[%get3A_689] : memref<1480xf32, #tpu.memory_space<vmem>>[vector<16xi32>], vector<16xf32>,
    %gather3A_706 = tpu.vector_load_idx %arg15[%add3A_694] : memref<1480xf32, #tpu.memory_space<vmem>>[vector<16xi32>], vector<16xf32>,
    %gather3A_707 = tpu.vector_load_idx %arg15[%add3A_699] : memref<1480xf32, #tpu.memory_space<vmem>>[vector<16xi32>], vector<16xf32>,
    %gather3A_708 = tpu.vector_load_idx %arg15[%add3A_704] : memref<1480xf32, #tpu.memory_space<vmem>>[vector<16xi32>], vector<16xf32>,
    %add3A_709 = arith.constant 416 : i32
    %add3A_710 = vector.broadcast %add3A_709 : i32 to vector<16xi32>
    %add3A_711 = arith.addi %iota3A, %add3A_710 : vector<16xi32>
    tpu.vector_store_idx %arg16[%add3A_711, %broadcast_in_dim3A_49], %gather3A_705 : memref<512x4xf32, #tpu.memory_space<vmem>>[vector<16xi32>, vector<16xi32>], vector<16xf32>,
    tpu.vector_store_idx %arg16[%add3A_711, %broadcast_in_dim3A_51], %gather3A_706 : memref<512x4xf32, #tpu.memory_space<vmem>>[vector<16xi32>, vector<16xi32>], vector<16xf32>,
    tpu.vector_store_idx %arg16[%add3A_711, %broadcast_in_dim3A_53], %gather3A_707 : memref<512x4xf32, #tpu.memory_space<vmem>>[vector<16xi32>, vector<16xi32>], vector<16xf32>,
    tpu.vector_store_idx %arg16[%add3A_711, %broadcast_in_dim3A_55], %gather3A_708 : memref<512x4xf32, #tpu.memory_space<vmem>>[vector<16xi32>, vector<16xi32>], vector<16xf32>,
    %get3A_712 = arith.constant 432 : index
    %get3A_713 = tpu.vector_load %arg11[%get3A_712] {strides = array<i32>} : memref<512xi32, #tpu.memory_space<vmem>>, vector<16xi32>,
    %get3A_714 = arith.constant 432 : index
    %get3A_715 = tpu.vector_load %arg12[%get3A_714] {strides = array<i32>} : memref<512xi32, #tpu.memory_space<vmem>>, vector<16xi32>,
    %add3A_716 = arith.constant 1000 : i32
    %add3A_717 = vector.broadcast %add3A_716 : i32 to vector<16xi32>
    %add3A_718 = arith.addi %get3A_715, %add3A_717 : vector<16xi32>
    %get3A_719 = arith.constant 432 : index
    %get3A_720 = tpu.vector_load %arg13[%get3A_719] {strides = array<i32>} : memref<512xi32, #tpu.memory_space<vmem>>, vector<16xi32>,
    %add3A_721 = arith.constant 1016 : i32
    %add3A_722 = vector.broadcast %add3A_721 : i32 to vector<16xi32>
    %add3A_723 = arith.addi %get3A_720, %add3A_722 : vector<16xi32>
    %get3A_724 = arith.constant 432 : index
    %get3A_725 = tpu.vector_load %arg14[%get3A_724] {strides = array<i32>} : memref<512xi32, #tpu.memory_space<vmem>>, vector<16xi32>,
    %add3A_726 = arith.constant 1386 : i32
    %add3A_727 = vector.broadcast %add3A_726 : i32 to vector<16xi32>
    %add3A_728 = arith.addi %get3A_725, %add3A_727 : vector<16xi32>
    %gather3A_729 = tpu.vector_load_idx %arg15[%get3A_713] : memref<1480xf32, #tpu.memory_space<vmem>>[vector<16xi32>], vector<16xf32>,
    %gather3A_730 = tpu.vector_load_idx %arg15[%add3A_718] : memref<1480xf32, #tpu.memory_space<vmem>>[vector<16xi32>], vector<16xf32>,
    %gather3A_731 = tpu.vector_load_idx %arg15[%add3A_723] : memref<1480xf32, #tpu.memory_space<vmem>>[vector<16xi32>], vector<16xf32>,
    %gather3A_732 = tpu.vector_load_idx %arg15[%add3A_728] : memref<1480xf32, #tpu.memory_space<vmem>>[vector<16xi32>], vector<16xf32>,
    %add3A_733 = arith.constant 432 : i32
    %add3A_734 = vector.broadcast %add3A_733 : i32 to vector<16xi32>
    %add3A_735 = arith.addi %iota3A, %add3A_734 : vector<16xi32>
    tpu.vector_store_idx %arg16[%add3A_735, %broadcast_in_dim3A_49], %gather3A_729 : memref<512x4xf32, #tpu.memory_space<vmem>>[vector<16xi32>, vector<16xi32>], vector<16xf32>,
    tpu.vector_store_idx %arg16[%add3A_735, %broadcast_in_dim3A_51], %gather3A_730 : memref<512x4xf32, #tpu.memory_space<vmem>>[vector<16xi32>, vector<16xi32>], vector<16xf32>,
    tpu.vector_store_idx %arg16[%add3A_735, %broadcast_in_dim3A_53], %gather3A_731 : memref<512x4xf32, #tpu.memory_space<vmem>>[vector<16xi32>, vector<16xi32>], vector<16xf32>,
    tpu.vector_store_idx %arg16[%add3A_735, %broadcast_in_dim3A_55], %gather3A_732 : memref<512x4xf32, #tpu.memory_space<vmem>>[vector<16xi32>, vector<16xi32>], vector<16xf32>,
    %get3A_736 = arith.constant 448 : index
    %get3A_737 = tpu.vector_load %arg11[%get3A_736] {strides = array<i32>} : memref<512xi32, #tpu.memory_space<vmem>>, vector<16xi32>,
    %get3A_738 = arith.constant 448 : index
    %get3A_739 = tpu.vector_load %arg12[%get3A_738] {strides = array<i32>} : memref<512xi32, #tpu.memory_space<vmem>>, vector<16xi32>,
    %add3A_740 = arith.constant 1000 : i32
    %add3A_741 = vector.broadcast %add3A_740 : i32 to vector<16xi32>
    %add3A_742 = arith.addi %get3A_739, %add3A_741 : vector<16xi32>
    %get3A_743 = arith.constant 448 : index
    %get3A_744 = tpu.vector_load %arg13[%get3A_743] {strides = array<i32>} : memref<512xi32, #tpu.memory_space<vmem>>, vector<16xi32>,
    %add3A_745 = arith.constant 1016 : i32
    %add3A_746 = vector.broadcast %add3A_745 : i32 to vector<16xi32>
    %add3A_747 = arith.addi %get3A_744, %add3A_746 : vector<16xi32>
    %get3A_748 = arith.constant 448 : index
    %get3A_749 = tpu.vector_load %arg14[%get3A_748] {strides = array<i32>} : memref<512xi32, #tpu.memory_space<vmem>>, vector<16xi32>,
    %add3A_750 = arith.constant 1386 : i32
    %add3A_751 = vector.broadcast %add3A_750 : i32 to vector<16xi32>
    %add3A_752 = arith.addi %get3A_749, %add3A_751 : vector<16xi32>
    %gather3A_753 = tpu.vector_load_idx %arg15[%get3A_737] : memref<1480xf32, #tpu.memory_space<vmem>>[vector<16xi32>], vector<16xf32>,
    %gather3A_754 = tpu.vector_load_idx %arg15[%add3A_742] : memref<1480xf32, #tpu.memory_space<vmem>>[vector<16xi32>], vector<16xf32>,
    %gather3A_755 = tpu.vector_load_idx %arg15[%add3A_747] : memref<1480xf32, #tpu.memory_space<vmem>>[vector<16xi32>], vector<16xf32>,
    %gather3A_756 = tpu.vector_load_idx %arg15[%add3A_752] : memref<1480xf32, #tpu.memory_space<vmem>>[vector<16xi32>], vector<16xf32>,
    %add3A_757 = arith.constant 448 : i32
    %add3A_758 = vector.broadcast %add3A_757 : i32 to vector<16xi32>
    %add3A_759 = arith.addi %iota3A, %add3A_758 : vector<16xi32>
    tpu.vector_store_idx %arg16[%add3A_759, %broadcast_in_dim3A_49], %gather3A_753 : memref<512x4xf32, #tpu.memory_space<vmem>>[vector<16xi32>, vector<16xi32>], vector<16xf32>,
    tpu.vector_store_idx %arg16[%add3A_759, %broadcast_in_dim3A_51], %gather3A_754 : memref<512x4xf32, #tpu.memory_space<vmem>>[vector<16xi32>, vector<16xi32>], vector<16xf32>,
    tpu.vector_store_idx %arg16[%add3A_759, %broadcast_in_dim3A_53], %gather3A_755 : memref<512x4xf32, #tpu.memory_space<vmem>>[vector<16xi32>, vector<16xi32>], vector<16xf32>,
    tpu.vector_store_idx %arg16[%add3A_759, %broadcast_in_dim3A_55], %gather3A_756 : memref<512x4xf32, #tpu.memory_space<vmem>>[vector<16xi32>, vector<16xi32>], vector<16xf32>,
    %get3A_760 = arith.constant 464 : index
    %get3A_761 = tpu.vector_load %arg11[%get3A_760] {strides = array<i32>} : memref<512xi32, #tpu.memory_space<vmem>>, vector<16xi32>,
    %get3A_762 = arith.constant 464 : index
    %get3A_763 = tpu.vector_load %arg12[%get3A_762] {strides = array<i32>} : memref<512xi32, #tpu.memory_space<vmem>>, vector<16xi32>,
    %add3A_764 = arith.constant 1000 : i32
    %add3A_765 = vector.broadcast %add3A_764 : i32 to vector<16xi32>
    %add3A_766 = arith.addi %get3A_763, %add3A_765 : vector<16xi32>
    %get3A_767 = arith.constant 464 : index
    %get3A_768 = tpu.vector_load %arg13[%get3A_767] {strides = array<i32>} : memref<512xi32, #tpu.memory_space<vmem>>, vector<16xi32>,
    %add3A_769 = arith.constant 1016 : i32
    %add3A_770 = vector.broadcast %add3A_769 : i32 to vector<16xi32>
    %add3A_771 = arith.addi %get3A_768, %add3A_770 : vector<16xi32>
    %get3A_772 = arith.constant 464 : index
    %get3A_773 = tpu.vector_load %arg14[%get3A_772] {strides = array<i32>} : memref<512xi32, #tpu.memory_space<vmem>>, vector<16xi32>,
    %add3A_774 = arith.constant 1386 : i32
    %add3A_775 = vector.broadcast %add3A_774 : i32 to vector<16xi32>
    %add3A_776 = arith.addi %get3A_773, %add3A_775 : vector<16xi32>
    %gather3A_777 = tpu.vector_load_idx %arg15[%get3A_761] : memref<1480xf32, #tpu.memory_space<vmem>>[vector<16xi32>], vector<16xf32>,
    %gather3A_778 = tpu.vector_load_idx %arg15[%add3A_766] : memref<1480xf32, #tpu.memory_space<vmem>>[vector<16xi32>], vector<16xf32>,
    %gather3A_779 = tpu.vector_load_idx %arg15[%add3A_771] : memref<1480xf32, #tpu.memory_space<vmem>>[vector<16xi32>], vector<16xf32>,
    %gather3A_780 = tpu.vector_load_idx %arg15[%add3A_776] : memref<1480xf32, #tpu.memory_space<vmem>>[vector<16xi32>], vector<16xf32>,
    %add3A_781 = arith.constant 464 : i32
    %add3A_782 = vector.broadcast %add3A_781 : i32 to vector<16xi32>
    %add3A_783 = arith.addi %iota3A, %add3A_782 : vector<16xi32>
    tpu.vector_store_idx %arg16[%add3A_783, %broadcast_in_dim3A_49], %gather3A_777 : memref<512x4xf32, #tpu.memory_space<vmem>>[vector<16xi32>, vector<16xi32>], vector<16xf32>,
    tpu.vector_store_idx %arg16[%add3A_783, %broadcast_in_dim3A_51], %gather3A_778 : memref<512x4xf32, #tpu.memory_space<vmem>>[vector<16xi32>, vector<16xi32>], vector<16xf32>,
    tpu.vector_store_idx %arg16[%add3A_783, %broadcast_in_dim3A_53], %gather3A_779 : memref<512x4xf32, #tpu.memory_space<vmem>>[vector<16xi32>, vector<16xi32>], vector<16xf32>,
    tpu.vector_store_idx %arg16[%add3A_783, %broadcast_in_dim3A_55], %gather3A_780 : memref<512x4xf32, #tpu.memory_space<vmem>>[vector<16xi32>, vector<16xi32>], vector<16xf32>,
    %get3A_784 = arith.constant 480 : index
    %get3A_785 = tpu.vector_load %arg11[%get3A_784] {strides = array<i32>} : memref<512xi32, #tpu.memory_space<vmem>>, vector<16xi32>,
    %get3A_786 = arith.constant 480 : index
    %get3A_787 = tpu.vector_load %arg12[%get3A_786] {strides = array<i32>} : memref<512xi32, #tpu.memory_space<vmem>>, vector<16xi32>,
    %add3A_788 = arith.constant 1000 : i32
    %add3A_789 = vector.broadcast %add3A_788 : i32 to vector<16xi32>
    %add3A_790 = arith.addi %get3A_787, %add3A_789 : vector<16xi32>
    %get3A_791 = arith.constant 480 : index
    %get3A_792 = tpu.vector_load %arg13[%get3A_791] {strides = array<i32>} : memref<512xi32, #tpu.memory_space<vmem>>, vector<16xi32>,
    %add3A_793 = arith.constant 1016 : i32
    %add3A_794 = vector.broadcast %add3A_793 : i32 to vector<16xi32>
    %add3A_795 = arith.addi %get3A_792, %add3A_794 : vector<16xi32>
    %get3A_796 = arith.constant 480 : index
    %get3A_797 = tpu.vector_load %arg14[%get3A_796] {strides = array<i32>} : memref<512xi32, #tpu.memory_space<vmem>>, vector<16xi32>,
    %add3A_798 = arith.constant 1386 : i32
    %add3A_799 = vector.broadcast %add3A_798 : i32 to vector<16xi32>
    %add3A_800 = arith.addi %get3A_797, %add3A_799 : vector<16xi32>
    %gather3A_801 = tpu.vector_load_idx %arg15[%get3A_785] : memref<1480xf32, #tpu.memory_space<vmem>>[vector<16xi32>], vector<16xf32>,
    %gather3A_802 = tpu.vector_load_idx %arg15[%add3A_790] : memref<1480xf32, #tpu.memory_space<vmem>>[vector<16xi32>], vector<16xf32>,
    %gather3A_803 = tpu.vector_load_idx %arg15[%add3A_795] : memref<1480xf32, #tpu.memory_space<vmem>>[vector<16xi32>], vector<16xf32>,
    %gather3A_804 = tpu.vector_load_idx %arg15[%add3A_800] : memref<1480xf32, #tpu.memory_space<vmem>>[vector<16xi32>], vector<16xf32>,
    %add3A_805 = arith.constant 480 : i32
    %add3A_806 = vector.broadcast %add3A_805 : i32 to vector<16xi32>
    %add3A_807 = arith.addi %iota3A, %add3A_806 : vector<16xi32>
    tpu.vector_store_idx %arg16[%add3A_807, %broadcast_in_dim3A_49], %gather3A_801 : memref<512x4xf32, #tpu.memory_space<vmem>>[vector<16xi32>, vector<16xi32>], vector<16xf32>,
    tpu.vector_store_idx %arg16[%add3A_807, %broadcast_in_dim3A_51], %gather3A_802 : memref<512x4xf32, #tpu.memory_space<vmem>>[vector<16xi32>, vector<16xi32>], vector<16xf32>,
    tpu.vector_store_idx %arg16[%add3A_807, %broadcast_in_dim3A_53], %gather3A_803 : memref<512x4xf32, #tpu.memory_space<vmem>>[vector<16xi32>, vector<16xi32>], vector<16xf32>,
    tpu.vector_store_idx %arg16[%add3A_807, %broadcast_in_dim3A_55], %gather3A_804 : memref<512x4xf32, #tpu.memory_space<vmem>>[vector<16xi32>, vector<16xi32>], vector<16xf32>,
    %get3A_808 = arith.constant 496 : index
    %get3A_809 = tpu.vector_load %arg11[%get3A_808] {strides = array<i32>} : memref<512xi32, #tpu.memory_space<vmem>>, vector<16xi32>,
    %get3A_810 = arith.constant 496 : index
    %get3A_811 = tpu.vector_load %arg12[%get3A_810] {strides = array<i32>} : memref<512xi32, #tpu.memory_space<vmem>>, vector<16xi32>,
    %add3A_812 = arith.constant 1000 : i32
    %add3A_813 = vector.broadcast %add3A_812 : i32 to vector<16xi32>
    %add3A_814 = arith.addi %get3A_811, %add3A_813 : vector<16xi32>
    %get3A_815 = arith.constant 496 : index
    %get3A_816 = tpu.vector_load %arg13[%get3A_815] {strides = array<i32>} : memref<512xi32, #tpu.memory_space<vmem>>, vector<16xi32>,
    %add3A_817 = arith.constant 1016 : i32
    %add3A_818 = vector.broadcast %add3A_817 : i32 to vector<16xi32>
    %add3A_819 = arith.addi %get3A_816, %add3A_818 : vector<16xi32>
    %get3A_820 = arith.constant 496 : index
    %get3A_821 = tpu.vector_load %arg14[%get3A_820] {strides = array<i32>} : memref<512xi32, #tpu.memory_space<vmem>>, vector<16xi32>,
    %add3A_822 = arith.constant 1386 : i32
    %add3A_823 = vector.broadcast %add3A_822 : i32 to vector<16xi32>
    %add3A_824 = arith.addi %get3A_821, %add3A_823 : vector<16xi32>
    %gather3A_825 = tpu.vector_load_idx %arg15[%get3A_809] : memref<1480xf32, #tpu.memory_space<vmem>>[vector<16xi32>], vector<16xf32>,
    %gather3A_826 = tpu.vector_load_idx %arg15[%add3A_814] : memref<1480xf32, #tpu.memory_space<vmem>>[vector<16xi32>], vector<16xf32>,
    %gather3A_827 = tpu.vector_load_idx %arg15[%add3A_819] : memref<1480xf32, #tpu.memory_space<vmem>>[vector<16xi32>], vector<16xf32>,
    %gather3A_828 = tpu.vector_load_idx %arg15[%add3A_824] : memref<1480xf32, #tpu.memory_space<vmem>>[vector<16xi32>], vector<16xf32>,
    %add3A_829 = arith.constant 496 : i32
    %add3A_830 = vector.broadcast %add3A_829 : i32 to vector<16xi32>
    %add3A_831 = arith.addi %iota3A, %add3A_830 : vector<16xi32>
    tpu.vector_store_idx %arg16[%add3A_831, %broadcast_in_dim3A_49], %gather3A_825 : memref<512x4xf32, #tpu.memory_space<vmem>>[vector<16xi32>, vector<16xi32>], vector<16xf32>,
    tpu.vector_store_idx %arg16[%add3A_831, %broadcast_in_dim3A_51], %gather3A_826 : memref<512x4xf32, #tpu.memory_space<vmem>>[vector<16xi32>, vector<16xi32>], vector<16xf32>,
    tpu.vector_store_idx %arg16[%add3A_831, %broadcast_in_dim3A_53], %gather3A_827 : memref<512x4xf32, #tpu.memory_space<vmem>>[vector<16xi32>, vector<16xi32>], vector<16xf32>,
    tpu.vector_store_idx %arg16[%add3A_831, %broadcast_in_dim3A_55], %gather3A_828 : memref<512x4xf32, #tpu.memory_space<vmem>>[vector<16xi32>, vector<16xi32>], vector<16xf32>,
    %add3A_832 = arith.constant 256 : i32
    %add3A_833 = arith.addi %mul3A_2, %add3A_832 : i32
    %dma_start3A_834 = arith.constant 256 : i32
    %dma_start3A_835 = arith.constant 0 : i32
    %dma_start3A_836 = tpu.memref_slice %arg16[%dma_start3A_834, %dma_start3A_835] : memref<512x4xf32, #tpu.memory_space<vmem>> -> memref<256x4xf32, #tpu.memory_space<vmem>>
    %dma_start3A_837 = arith.constant 0 : i32
    %dma_start3A_838 = tpu.memref_slice %arg10[%add3A_833, %dma_start3A_837] : memref<16384x4xf32, #tpu.memory_space<hbm>> -> memref<256x4xf32, #tpu.memory_space<hbm>>
    %dma_start3A_839 = arith.constant 0 : i32
    %dma_start3A_840 = tpu.memref_slice %arg10[%add3A_833, %dma_start3A_839] : memref<16384x4xf32, #tpu.memory_space<hbm>> -> memref<256x4xf32, #tpu.memory_space<hbm>>
    %dma_start3A_841 = arith.constant 256 : i32
    %dma_start3A_842 = arith.constant 0 : i32
    %dma_start3A_843 = tpu.memref_slice %arg16[%dma_start3A_841, %dma_start3A_842] : memref<512x4xf32, #tpu.memory_space<vmem>> -> memref<256x4xf32, #tpu.memory_space<vmem>>
    tpu.enqueue_dma source(%dma_start3A_843 : memref<256x4xf32, #tpu.memory_space<vmem>>) target(%dma_start3A_840 : memref<256x4xf32, #tpu.memory_space<hbm>>) target_semaphore(%arg18 : memref<!tpu.dma_semaphore, #tpu.memory_space<semaphore_mem>>)
    %dma_wait3A_844 = arith.constant 0 : i32
    %dma_wait3A_845 = arith.constant 0 : i32
    %dma_wait3A_846 = tpu.memref_slice %arg16[%dma_wait3A_844, %dma_wait3A_845] : memref<512x4xf32, #tpu.memory_space<vmem>> -> memref<256x4xf32, #tpu.memory_space<vmem>>
    %dma_wait3A_847 = arith.constant 0 : i32
    %dma_wait3A_848 = tpu.memref_slice %arg10[%mul3A_2, %dma_wait3A_847] : memref<16384x4xf32, #tpu.memory_space<hbm>> -> memref<256x4xf32, #tpu.memory_space<hbm>>
    %dma_wait3A_849 = arith.constant 0 : i32
    %dma_wait3A_850 = tpu.memref_slice %arg10[%mul3A_2, %dma_wait3A_849] : memref<16384x4xf32, #tpu.memory_space<hbm>> -> memref<256x4xf32, #tpu.memory_space<hbm>>
    %dma_wait3A_851 = arith.constant 0 : i32
    %dma_wait3A_852 = arith.constant 0 : i32
    %dma_wait3A_853 = tpu.memref_slice %arg16[%dma_wait3A_851, %dma_wait3A_852] : memref<512x4xf32, #tpu.memory_space<vmem>> -> memref<256x4xf32, #tpu.memory_space<vmem>>
    tpu.wait_dma2 semaphore(%arg18 : memref<!tpu.dma_semaphore, #tpu.memory_space<semaphore_mem>>) src(%dma_wait3A_853 : memref<256x4xf32, #tpu.memory_space<vmem>>) dst(%dma_wait3A_850 : memref<256x4xf32, #tpu.memory_space<hbm>>)
    %dma_wait3A_854 = arith.constant 256 : i32
    %dma_wait3A_855 = arith.constant 0 : i32
    %dma_wait3A_856 = tpu.memref_slice %arg16[%dma_wait3A_854, %dma_wait3A_855] : memref<512x4xf32, #tpu.memory_space<vmem>> -> memref<256x4xf32, #tpu.memory_space<vmem>>
    %dma_wait3A_857 = arith.constant 0 : i32
    %dma_wait3A_858 = tpu.memref_slice %arg10[%add3A_833, %dma_wait3A_857] : memref<16384x4xf32, #tpu.memory_space<hbm>> -> memref<256x4xf32, #tpu.memory_space<hbm>>
    %dma_wait3A_859 = arith.constant 0 : i32
    %dma_wait3A_860 = tpu.memref_slice %arg10[%add3A_833, %dma_wait3A_859] : memref<16384x4xf32, #tpu.memory_space<hbm>> -> memref<256x4xf32, #tpu.memory_space<hbm>>
    %dma_wait3A_861 = arith.constant 256 : i32
    %dma_wait3A_862 = arith.constant 0 : i32
    %dma_wait3A_863 = tpu.memref_slice %arg16[%dma_wait3A_861, %dma_wait3A_862] : memref<512x4xf32, #tpu.memory_space<vmem>> -> memref<256x4xf32, #tpu.memory_space<vmem>>
    tpu.wait_dma2 semaphore(%arg18 : memref<!tpu.dma_semaphore, #tpu.memory_space<semaphore_mem>>) src(%dma_wait3A_863 : memref<256x4xf32, #tpu.memory_space<vmem>>) dst(%dma_wait3A_860 : memref<256x4xf32, #tpu.memory_space<hbm>>)
    return
  }
}

</mosaic_0001>

<sc_bundles>
// kernel: kernel.3.cloned.1.call-start
scs
__scs_entry_jumppad:
0x0: {  	(pc) =	sbr.rel $0x88, $3  }
0x1: {  	(tag) =	ssettag $0x0;
	lr =	simm.s32 $0x1  }
0x2: {  	[smem:$0x3F99] =	sst lr;
	_ =	strace $0xD0000000  }
0x3: {  	_ = 	snop  }
0x4: {  	_ = 	snop  }
0x5: {  	_ = 	snop  }
0x6: {  	_ = 	snop  }
0x7: {  	_ = 	snop  }
__scs_overlays_trampoline_lowered:
0x8: {  	[smem:$0x3FA8] =	sst s0  }
0x9: {  	[smem:$0x3FA9] =	sst s1  }
0xa: {  	[smem:$0x3FAA] =	sst s2  }
0xb: {  	[smem:$0x3FAB] =	sst s3  }
0xc: {  	[smem:$0x3FAC] =	sst s4  }
0xd: {  	[smem:$0x3FAD] =	sst s5  }
0xe: {  	[smem:$0x3FAE] =	sst s6  }
0xf: {  	[smem:$0x3FAF] =	sst s7  }
0x10: {  	[smem:$0x3FB0] =	sst s8  }
0x11: {  	[smem:$0x3FB1] =	sst s9;
	s0 =	simm.s32 @!p0 $0x0  }
0x12: {  	s1 =	sld [smem:$0x3F97];
	s0 =	simm.s32 @p0 $0x1  }
0x13: {  	[smem:$0x3FB2] =	sst s0;
	s0 =	simm.s32 @!p1 $0x0  }
0x14: {  	s2 =	sld [smem:$0x3F96];
	s0 =	simm.s32 @p1 $0x1  }
0x15: {  	[smem:$0x3FB3] =	sst s0;
	s0 =	simm.s32 @!p2 $0x0  }
0x16: {  	s3 =	sld [smem:$0x3FDB];
	s0 =	simm.s32 @p2 $0x1  }
0x17: {  	s4 =	simm.s32 $0x1BF5;
	[smem:$0x3FB5] =	sst s0  }
0x18: {  	s0 =	sld [smem:$0x3F98];
	_ =	swait.ge [sflag:s4], $0x0  }
0x19: {  	s7 =	sld [smem:$0x3F99]  }
0x1a: {  	s8 =	sadd.s32 $0xFFFFE003, lr  }
0x1b: {  	s9 =	sadd.s32 $0xFFFFFEF7, lr;
	s5 =	simm.s32 $0xFFFFFFFF;
	p2 =	slt.u32 s8, $0xFFFFF086  }
0x1c: {  	p1 =	slt.u32 s9, $0xF7A;
	s5 =	simm.s32 @!p2 $0x0  }
0x1d: {  	s5 =	simm.s32 @p1 $0x1;
	p0 =	seq.s32 s7, s2  }
0x1e: {  	s7 =	smul.u32 @!p0 $0xF7A, s2;
	p2 =	seq.s32 @!p0 s5, $0x0  }
0x1f: {  	s9 =	smul.u32 $0xF7A, s1;
	s8 =	simm.s32 @!p0 $0x1BF5;
	p2 =	por !p2, p0  }
0x20: {  	[sflag:s8] =	ssyncset.s32 @!p0 $0xFFFFF086;
	s6 =	sadd.s32 @!p0 s3, s7;
	s7 =	simm.s32 @!p0 $0x108  }
0x21: {  	s3 =	sadd.s32 s3, s9;
	s6 =	sadd.s32 @!p0 $0x88, s6;
	s7 =	simm.s32 @p2 $0x1082  }
0x22: {  	[simem:s7], [sflag:s8] =	dma.local @!p0 [hbm:s6], $0xF7A  }
0x23: {  	s9 =	sor.u32 $0xD0000000, s2;
	s6 =	simm.s32 $0x108;
	_ =	swait.ge @!p0 [sflag:s8], $0x0  }
0x24: {  	s3 =	sadd.s32 $0x88, s3;
	s6 =	simm.s32 @!p1 $0x1082;
	[sflag:s4] =	ssyncset.s32 $0xFFFFF086  }
0x25: {  	[simem:s6], [sflag:s4] =	dma.local [hbm:s3], $0xF7A  }
0x26: {  	[smem:$0x3F99] =	sst s1;
	(tag) =	ssettag s2;
	_ =	strace s9  }
0x27: {  	s1 =	sld [smem:$0x3FA9]  }
0x28: {  	s2 =	sld [smem:$0x3FAA]  }
0x29: {  	s4 =	sld [smem:$0x3FAC]  }
0x2a: {  	p0 =	seq.s32 s5, $0x0;
	s5 =	sld [smem:$0x3FAD]  }
0x2b: {  	s6 =	sld [smem:$0x3FAE]  }
0x2c: {  	s7 =	sld [smem:$0x3FAF]  }
0x2d: {  	s3 =	simm.s32 $0x108;
	s8 =	sld [smem:$0x3FB0]  }
0x2e: {  	s3 =	simm.s32 @!p0 $0x1082;
	s9 =	sld [smem:$0x3FB1]  }
0x2f: {  	lr =	sadd.s32 s0, s3;
	s0 =	sld [smem:$0x3FA8]  }
0x30: {  	s3 =	sld [smem:$0x3FAB]  }
0x31: {  	[smem:$0x3FB4] =	sst s10  }
0x32: {  	s10 =	sld [smem:$0x3FB2];
	_ =	sdelay $0x3  }
0x33: {  	p0 =	seq.s32 s10, $0x1;
	s10 =	sld [smem:$0x3FB4];
	_ =	sdelay $0x3  }
0x34: {  	[smem:$0x3FB4] =	sst s10  }
0x35: {  	s10 =	sld [smem:$0x3FB3];
	_ =	sdelay $0x3  }
0x36: {  	p1 =	seq.s32 s10, $0x1;
	s10 =	sld [smem:$0x3FB4];
	_ =	sdelay $0x3  }
0x37: {  	[smem:$0x3FB4] =	sst s10  }
0x38: {  	s10 =	sld [smem:$0x3FB5]  }
0x39: {  	_ = 	snop;
	(pc) =	sbr.ind lr, $3  }
0x3a: {  	_ = 	snop  }
0x3b: {  	_ = 	snop  }
0x3c: {  	p2 =	seq.s32 s10, $0x1;
	s10 =	sld [smem:$0x3FB4]  }
0x3d: {  	_ =	shalt  }
0x3e: {  	_ =	shalt  }
0x3f: {  	_ =	shalt  }
0x40: {  	_ =	shalt  }
0x41: {  	_ =	shalt  }
0x42: {  	_ =	shalt  }
0x43: {  	_ =	shalt  }
0x44: {  	_ =	shalt  }
0x45: {  	_ =	shalt  }
0x46: {  	_ =	shalt  }
0x47: {  	_ =	shalt  }
0x48: {  	_ =	shalt  }
0x49: {  	_ =	shalt  }
0x4a: {  	_ =	shalt  }
0x4b: {  	_ =	shalt  }
0x4c: {  	_ =	shalt  }
0x4d: {  	_ =	shalt  }
0x4e: {  	_ =	shalt  }
0x4f: {  	_ =	shalt  }
0x50: {  	_ =	shalt  }
0x51: {  	_ =	shalt  }
0x52: {  	_ =	shalt  }
0x53: {  	_ =	shalt  }
0x54: {  	_ =	shalt  }
0x55: {  	_ =	shalt  }
0x56: {  	_ =	shalt  }
0x57: {  	_ =	shalt  }
0x58: {  	_ =	shalt  }
0x59: {  	_ =	shalt  }
0x5a: {  	_ =	shalt  }
0x5b: {  	_ =	shalt  }
0x5c: {  	_ =	shalt  }
0x5d: {  	_ =	shalt  }
0x5e: {  	_ =	shalt  }
0x5f: {  	_ =	shalt  }
0x60: {  	_ =	shalt  }
0x61: {  	_ =	shalt  }
0x62: {  	_ =	shalt  }
0x63: {  	_ =	shalt  }
0x64: {  	_ =	shalt  }
0x65: {  	_ =	shalt  }
0x66: {  	_ =	shalt  }
0x67: {  	_ =	shalt  }
0x68: {  	_ =	shalt  }
0x69: {  	_ =	shalt  }
0x6a: {  	_ =	shalt  }
0x6b: {  	_ =	shalt  }
0x6c: {  	_ =	shalt  }
0x6d: {  	_ =	shalt  }
0x6e: {  	_ =	shalt  }
0x6f: {  	_ =	shalt  }
0x70: {  	_ =	shalt  }
0x71: {  	_ =	shalt  }
0x72: {  	_ =	shalt  }
0x73: {  	_ =	shalt  }
0x74: {  	_ =	shalt  }
0x75: {  	_ =	shalt  }
0x76: {  	_ =	shalt  }
0x77: {  	_ =	shalt  }
0x78: {  	_ =	shalt  }
0x79: {  	_ =	shalt  }
0x7a: {  	_ =	shalt  }
0x7b: {  	_ =	shalt  }
0x7c: {  	_ =	shalt  }
0x7d: {  	_ =	shalt  }
0x7e: {  	_ =	shalt  }
0x7f: {  	_ =	shalt  }
0x80: {  	_ =	shalt  }
0x81: {  	_ =	shalt  }
0x82: {  	_ =	shalt  }
0x83: {  	_ =	shalt  }
0x84: {  	_ =	shalt  }
0x85: {  	_ =	shalt  }
0x86: {  	_ =	shalt  }
0x87: {  	_ =	shalt  }
.Lfunc_end0:
.L_simem_size_0:
called_computation_lowered:
.L_overlay_start_0:
0x88: {  	s2 =	sld [smem:$0x3FD9]  }
0x89: {  	s3 =	sld [smem:$0x3FFE];
	_ =	sdelay $0x1  }
0x8a: {  	s1 =	srdreg.scid  }
0x8b: {  	s0 =	sand.u32 $0x1, s1  }
0x8c: {  	s17 =	sshll.u32 s0, $0xA;
	s2 =	sadd.s32 s3, s2  }
0x8d: {  	s2 =	sadd.s32 s2, s17  }
0x8e: {  	[smem:$0x3FC0] =	sst s2  }
0x8f: {  	_ = 	snop  }
0x90: {  	s2 =	sld [smem:$0x3FC9]  }
0x91: {  	s18 =	sld [smem:$0x3FC8]  }
0x92: {  	s4 =	sld [smem:$0x3FC7]  }
0x93: {  	s5 =	sld [smem:$0x3FC6]  }
0x94: {  	s6 =	sld [smem:$0x3FC5]  }
0x95: {  	s7 =	sld [smem:$0x3FC4]  }
0x96: {  	s8 =	sld [smem:$0x3FC3]  }
0x97: {  	s9 =	sld [smem:$0x3FC2];
	(tm) =	ssettm $0x1  }
0x98: {  	s10 =	sld [smem:$0x3FFB];
	_ =	sdelay $0x3  }
0x99: {  	_ =	strace s10  }
0x9a: {  	s10 =	sld [smem:$0x3FFC];
	_ =	sdelay $0x3  }
0x9b: {  	_ =	strace s10  }
0x9c: {  	s10 =	sld [smem:$0x3FFD];
	_ =	sdelay $0x3  }
0x9d: {  	_ =	strace s10  }
0x9e: {  	_ =	strace $0x8FFFFFFF  }
0x9f: {  	s19 =	sld [smem:$0x3FDB];
	_ =	sdelay $0x1  }
0xa0: {  	s11 =	simm.s32 $_scs_section_size  }
0xa1: {  	s12 =	simm.s32 $_size__tile_overlayer_lowered;
	s13 =	simm.s32 $_tile_overlayer_lowered  }
0xa2: {  	s22 =	simm.s32 $0x1BFF;
	s21 =	sshll.u32 s13, $0x1;
	s10 =	sadd.s32 s11, s19  }
0xa3: {  	s14 =	simm.s32 $0x0;
	s20 =	sshll.u32 s12, $0x1;
	s12 =	sadd.s32 s21, s10  }
0xa4: {  	[timem:s14], [sflag:s22] =	dma.local [hbm:s12], s20  }
0xa5: {  	_ =	swait.ge [sflag:s22], s20  }
0xa6: {  	s11 =	ssub.s32 $0x0, s20;
	[sflag:s22] =	ssyncset.done $0x0  }
0xa7: {  	[sflag:s22] =	ssyncadd.s32 s11;
	_ =	sdelay $0x1  }
0xa8: {  	s23 =	simm.s32 $0x1B8B  }
0xa9: {  	_ =	swait.ge [sflag:s23], $0x1  }
0xaa: {  	[sflag:s23] =	ssyncset.done $0x0  }
0xab: {  	s25 =	simm.s32 $0x1B8E;
	s24 =	sld [smem:$0x3FFE];
	[sflag:s23] =	ssyncadd.s32 $0xFFFFFFFF  }
0xac: {  	s26 =	simm.s32 $execute0_lowered;
	[smem:$0x3FD2] =	sst s25  }
0xad: {  	s12 =	sshll.u32 s26, $0x1;
	_ =	strace $0x80000046;
	[dreg:$0x1] =	wrdreg $0xFFFFFFFF  }
0xae: {  	s28 =	simm.s32 $_size_execute0_lowered;
	s10 =	sadd.s32 s10, s12;
	[dreg:$0x0] =	wrdreg $0x0  }
0xaf: {  	s12 =	sshll.u32 s28, $0x1;
	[dreg:$0x2] =	wrdreg s10  }
0xb0: {  	[dreg:$0x3] =	wrdreg s12  }
0xb1: {  	[dreg:$0x4] =	wrdreg $0xC0  }
0xb2: {  	_ =	task [dreg:s14], $0x5FFFF  }
0xb3: {  	[dreg:$0x1] =	wrdreg $0xFFFFFFFF  }
0xb4: {  	[dreg:$0x0] =	wrdreg $0x60  }
0xb5: {  	[dreg:$0x2] =	wrdreg s2  }
0xb6: {  	[dreg:$0x3] =	wrdreg s18  }
0xb7: {  	[dreg:$0x4] =	wrdreg s4  }
0xb8: {  	[dreg:$0x5] =	wrdreg s5  }
0xb9: {  	[dreg:$0x6] =	wrdreg s6  }
0xba: {  	[dreg:$0x7] =	wrdreg s7  }
0xbb: {  	[dreg:$0x8] =	wrdreg s8  }
0xbc: {  	[dreg:$0x9] =	wrdreg s9  }
0xbd: {  	[dreg:$0xa] =	wrdreg s24  }
0xbe: {  	[dreg:$0xb] =	wrdreg $0x9  }
0xbf: {  	_ =	task.clear_ibuf [dreg:s14], $0xCFFFF;
	_ =	strace $0x90000046  }
0xc0: {  	s29 =	simm.s32 $0x9;
	_ =	strace $0x80000048  }
0xc1: {  	_ =	swait.ge [sflag:s29], $0x1  }
0xc2: {  	[sflag:s29] =	ssyncadd.s32 $0xFFFFFFFF  }
0xc3: {  	_ =	strace $0x90000048  }
0xc4: {  	_ =	sfence  }
0xc5: {  	s30 =	sld [smem:$0x0];
	_ =	sdelay $0x2  }
0xc6: {  	s31 =	sshll.u32 s1, $0xD;
	s1 =	sshrl.u32 s1, $0x2  }
0xc7: {  	s3 =	sand.u32 $0x4000, s31;
	s1 =	sadd.s32 s1, s30  }
0xc8: {  	s0 =	sor.u32 s3, s0;
	s1 =	sshll.u32 s1, $0x11  }
0xc9: {  	s0 =	sor.u32 s1, s0  }
0xca: {  	s0 =	sadd.s32 $0x8F2B, s0  }
0xcb: {  	[sflag:s0] =	ssyncadd.remote.s32 $0x1  }
0xcc: {  	_ =	sfence.sel $0xFFFF  }
0xcd: {  	[dreg:$0x0] =	wrdreg $0xFFFFFFFF;
	(pc) =	sbr.abs _section_cstart, $3  }
0xce: {  	[dreg:$0x1] =	wrdreg $0xFFFFFFFF  }
0xcf: {  	_ =	task.clear_ibuf [dreg:s14], $0x2FFFF;
	_ =	strace $0x9FFFFFFF  }
0xd0: {  	(tm) =	ssettm $0x7FFFFFFF  }
0xd1: {  	_ =	shalt  }
tec
execute0_lowered:
.L_overlay_start_1:
0x0: {  	(tag) =	ssettag $0x1  }
0x1: {  	v0 =	vlaneseq.u32  }
0x2: {  	v0 =	vmul.u32 $0x80, v0;
	_ =	sdelay $0x1  }
0x3: {  	v1 =	vor.u32 $0x1, v0  }
0x4: {  	v9 =	vor.u32 $0x1001, v0;
	v10 =	vor.u32 $0x1002, v0;
	v11 =	vor.u32 $0x1003, v0  }
0x5: {  	s7 =	rddreg [dreg:$0x0];
	v12 =	vor.u32 $0x1800, v0;
	v13 =	vor.u32 $0x1801, v0;
	v14 =	vor.u32 $0x1802, v0  }
0x6: {  	s8 =	rddreg [dreg:$0x1];
	v15 =	vor.u32 $0x1803, v0;
	v16 =	vor.u32 $0x2000, v0;
	v17 =	vor.u32 $0x2001, v0  }
0x7: {  	s9 =	rddreg [dreg:$0x2];
	v18 =	vor.u32 $0x2002, v0;
	v19 =	vor.u32 $0x2003, v0;
	v20 =	vor.u32 $0x2800, v0  }
0x8: {  	s10 =	rddreg [dreg:$0x3];
	v21 =	vor.u32 $0x2801, v0;
	v22 =	vor.u32 $0x2802, v0;
	v23 =	vor.u32 $0x2803, v0  }
0x9: {  	s0 =	rddreg [dreg:$0x4];
	v24 =	vor.u32 $0x3000, v0;
	v25 =	vor.u32 $0x3001, v0;
	v26 =	vor.u32 $0x3002, v0  }
0xa: {  	s1 =	rddreg [dreg:$0x5];
	v27 =	vor.u32 $0x3003, v0;
	v28 =	vor.u32 $0x3800, v0;
	v29 =	vor.u32 $0x3801, v0  }
0xb: {  	s2 =	rddreg [dreg:$0x6];
	v30 =	vor.u32 $0x3802, v0;
	v31 =	vor.u32 $0x3803, v0;
	v32 =	vor.u32 $0x4000, v0  }
0xc: {  	s3 =	rddreg [dreg:$0x7];
	v33 =	vor.u32 $0x4001, v0;
	v34 =	vor.u32 $0x4002, v0;
	v35 =	vor.u32 $0x4003, v0  }
0xd: {  	s11 =	rddreg [dreg:$0x8];
	s6 =	srdreg.scid;
	v36 =	vor.u32 $0x4800, v0;
	v37 =	vor.u32 $0x4801, v0;
	v38 =	vor.u32 $0x4802, v0  }
0xe: {  	s4 =	rddreg [dreg:$0x9];
	s5 =	stileid.u32;
	s16 =	simm.s32 $0xBF8;
	v39 =	vor.u32 $0x4803, v0;
	v40 =	vor.u32 $0x5000, v0;
	v41 =	vor.u32 $0x5001, v0  }
0xf: {  	s17 =	simm.s32 $0xD60;
	s18 =	simm.s32 $0x200;
	s19 =	simm.s32 $0x400;
	v42 =	vor.u32 $0x5002, v0;
	v43 =	vor.u32 $0x5003, v0;
	v44 =	vor.u32 $0x5800, v0  }
0x10: {  	s20 =	simm.s32 $0x600;
	s21 =	simm.s32 $0x1;
	s22 =	simm.s32 $0xE00;
	v45 =	vor.u32 $0x5801, v0;
	v46 =	vor.u32 $0x5802, v0;
	[tilespmem:$0x1FF80] =	vst v1;
	v1 =	vor.u32 $0x2, v0  }
0x11: {  	s23 =	simm.s32 $0x8E00;
	s24 =	simm.s32 $0x2;
	s12 =	sand.u32 $0x1, s6;
	v47 =	vor.u32 $0x5803, v0;
	v48 =	vor.u32 $0x6000, v0;
	[tilespmem:$0x1FF90] =	vst v1;
	v1 =	vor.u32 $0x3, v0  }
0x12: {  	s6 =	simm.s32 $0x0;
	s13 =	sshll.u32 s5, $0xA;
	s14 =	sshll.u32 s12, $0x9;
	v49 =	vor.u32 $0x6001, v0;
	v50 =	vor.u32 $0x6002, v0;
	[tilespmem:$0x1FFA0] =	vst v1;
	v1 =	vor.u32 $0x800, v0  }
0x13: {  	[smem:$0x7FF] =	sst s6;
	s12 =	ssub.s32 $0x2, s12;
	s13 =	sor.u32 s14, s13;
	v51 =	vor.u32 $0x6003, v0;
	v52 =	vor.u32 $0x6800, v0;
	[tilespmem:$0x1FFB0] =	vst v1;
	v1 =	vor.u32 $0x801, v0  }
0x14: {  	s15 =	sshrl.u32 s12, $0x1;
	v53 =	vor.u32 $0x6801, v0;
	v54 =	vor.u32 $0x6802, v0;
	s14 =	sshll.u32 s13, $0x4;
	s31 =	sshrl.u32 s13, $0x3;
	[tilespmem:$0x1FFC0] =	vst v1;
	v1 =	vor.u32 $0x802, v0  }
0x15: {  	v55 =	vor.u32 $0x6803, v0;
	v56 =	vor.u32 $0x7000, v0;
	s15 =	ssub.s32 s12, s15;
	s14 =	sadd.s32 s14, s11;
	s7 =	sadd.s32 s7, s31;
	[tilespmem:$0x1FFD0] =	vst v1;
	v1 =	vor.u32 $0x803, v0  }
0x16: {  	v57 =	vor.u32 $0x7001, v0;
	v58 =	vor.u32 $0x7002, v0;
	s8 =	sadd.s32 s8, s31;
	s9 =	sadd.s32 s9, s31;
	s10 =	sadd.s32 s10, s31;
	[tilespmem:$0x1FFE0] =	vst v1;
	v1 =	vor.u32 $0x1000, v0  }
0x17: {  	v59 =	vor.u32 $0x7003, v0;
	v60 =	vor.u32 $0x7800, v0;
	v61 =	vor.u32 $0x7801, v0;
	s13 =	smax.u32 s15, $0x1;
	s15 =	simm.s32 $0xBE8;
	s11 =	sadd.s32 $0x400, s14;
	[tilespmem:$0x1FFF0] =	vst v1  }
0x18: {  	v62 =	vor.u32 $0x7802, v0;
	v63 =	vor.u32 $0x7803, v0;
	s12 =	sadd.s32 $0x1400, s14;
	s14 =	simm.s32 $0x800;
	_ =	strace $0x80000047  }
.LBB2_1:
0x19: {  	[tilespmem:s14], [sflag:$0x1] =	stream.linear.gather [hbm4b:s0+s6], $0x3E8, $0x38;
	[tilespmem:$0x10E00] =	vst v63  }
0x1a: {  	_ = 	snop  }
0x1b: {  	[tilespmem:s15], [sflag:$0x1] =	stream.linear.gather [hbm4b:s1+s6], $0x10, $0x38;
	[tilespmem:$0x10E00] =	vst v63  }
0x1c: {  	_ = 	snop  }
0x1d: {  	[tilespmem:s16], [sflag:$0x1] =	stream.linear.gather [hbm4b:s2+s6], $0x168, $0x38;
	[tilespmem:$0x10E00] =	vst v63  }
0x1e: {  	_ = 	snop  }
0x1f: {  	[tilespmem:s17], [sflag:$0x1] =	stream.linear.gather [hbm4b:s3+s6], $0x64, $0x38;
	[tilespmem:$0x10E00] =	vst v63  }
0x20: {  	_ = 	snop  }
0x21: {  	[tilespmem:s6], [sflag:$0x1] =	stream.linear.gather [hbm4b:s7+s6], $0x200, $0x38;
	[tilespmem:$0x10E00] =	vst v63  }
0x22: {  	_ = 	snop  }
0x23: {  	[tilespmem:s18], [sflag:$0x1] =	stream.linear.gather [hbm4b:s8+s6], $0x200, $0x38;
	[tilespmem:$0x10E00] =	vst v63  }
0x24: {  	_ = 	snop  }
0x25: {  	[tilespmem:s19], [sflag:$0x1] =	stream.linear.gather [hbm4b:s9+s6], $0x200, $0x38;
	[tilespmem:$0x10E00] =	vst v63  }
0x26: {  	_ = 	snop  }
0x27: {  	[tilespmem:s20], [sflag:$0x1] =	stream.linear.gather [hbm4b:s10+s6], $0x200, $0x38;
	[tilespmem:$0x10E00] =	vst v63  }
0x28: {  	_ =	swait.ge [sflag:s21], $0x3E8  }
0x29: {  	[sflag:s21] =	ssyncset.done $0x0  }
0x2a: {  	[sflag:s21] =	ssyncadd.s32 $0xFFFFFC18  }
0x2b: {  	_ =	swait.ge [sflag:s21], $0x10  }
0x2c: {  	[sflag:s21] =	ssyncset.done $0x0  }
0x2d: {  	[sflag:s21] =	ssyncadd.s32 $0xFFFFFFF0  }
0x2e: {  	_ =	swait.ge [sflag:s21], $0x168  }
0x2f: {  	[sflag:s21] =	ssyncset.done $0x0  }
0x30: {  	[sflag:s21] =	ssyncadd.s32 $0xFFFFFE98  }
0x31: {  	_ =	swait.ge [sflag:s21], $0x64  }
0x32: {  	[sflag:s21] =	ssyncset.done $0x0  }
0x33: {  	[sflag:s21] =	ssyncadd.s32 $0xFFFFFF9C  }
0x34: {  	_ =	swait.ge [sflag:s21], $0x200  }
0x35: {  	[sflag:s21] =	ssyncset.done $0x0  }
0x36: {  	[sflag:s21] =	ssyncadd.s32 $0xFFFFFE00  }
0x37: {  	_ =	swait.ge [sflag:s21], $0x200  }
0x38: {  	[sflag:s21] =	ssyncset.done $0x0  }
0x39: {  	[sflag:s21] =	ssyncadd.s32 $0xFFFFFE00  }
0x3a: {  	_ =	swait.ge [sflag:s21], $0x200  }
0x3b: {  	[sflag:s21] =	ssyncset.done $0x0  }
0x3c: {  	[sflag:s21] =	ssyncadd.s32 $0xFFFFFE00  }
0x3d: {  	_ =	swait.ge [sflag:s21], $0x200  }
0x3e: {  	[sflag:s21] =	ssyncset.done $0x0  }
0x3f: {  	[sflag:s21] =	ssyncadd.s32 $0xFFFFFE00  }
0x40: {  	v1 =	vld [tilespmem:$0x0]  }
0x41: {  	v2 =	vld [tilespmem:$0x200]  }
0x42: {  	v3 =	vld [tilespmem:$0x400]  }
0x43: {  	v4 =	vld [tilespmem:$0x600];
	_ =	sdelay $0x2  }
0x44: {  	v2 =	vadd.s32 $0x3E8, v2  }
0x45: {  	v3 =	vadd.s32 $0x3F8, v3  }
0x46: {  	v4 =	vadd.s32 $0x56A, v4  }
0x47: {  	v1 =	vld.idx.msk [tilespmem:v1+s14+$0x0], $0xffff;
	_ =	sdelay $0x1  }
0x48: {  	v2 =	vld.idx.msk [tilespmem:v2+s14+$0x0], $0xffff  }
0x49: {  	v3 =	vld.idx.msk [tilespmem:v3+s14+$0x0], $0xffff  }
0x4a: {  	v4 =	vld.idx.msk [tilespmem:v4+s14+$0x0], $0xffff  }
0x4b: {  	[tilespmem:v0+s22+$0x0] =	vst.idx.msk $0xffff, v1;
	v1 =	vld [tilespmem:$0x1FF80];
	_ =	sdelay $0x7  }
0x4c: {  	[tilespmem:v1+s22+$0x0] =	vst.idx.msk $0xffff, v2;
	v1 =	vld [tilespmem:$0x1FF90];
	_ =	sdelay $0x7  }
0x4d: {  	[tilespmem:v1+s22+$0x0] =	vst.idx.msk $0xffff, v3;
	v1 =	vld [tilespmem:$0x1FFA0];
	_ =	sdelay $0x7  }
0x4e: {  	[tilespmem:v1+s22+$0x0] =	vst.idx.msk $0xffff, v4  }
0x4f: {  	v1 =	vld [tilespmem:$0x10]  }
0x50: {  	v2 =	vld [tilespmem:$0x210]  }
0x51: {  	v3 =	vld [tilespmem:$0x410]  }
0x52: {  	v4 =	vld [tilespmem:$0x610];
	_ =	sdelay $0x2  }
0x53: {  	v5 =	vld [tilespmem:$0x1FFB0];
	v2 =	vadd.s32 $0x3E8, v2  }
0x54: {  	v3 =	vadd.s32 $0x3F8, v3  }
0x55: {  	v4 =	vadd.s32 $0x56A, v4  }
0x56: {  	v1 =	vld.idx.msk [tilespmem:v1+s14+$0x0], $0xffff;
	_ =	sdelay $0x1  }
0x57: {  	v2 =	vld.idx.msk [tilespmem:v2+s14+$0x0], $0xffff  }
0x58: {  	v3 =	vld.idx.msk [tilespmem:v3+s14+$0x0], $0xffff  }
0x59: {  	v4 =	vld.idx.msk [tilespmem:v4+s14+$0x0], $0xffff  }
0x5a: {  	[tilespmem:v5+s22+$0x0] =	vst.idx.msk $0xffff, v1;
	v1 =	vld [tilespmem:$0x1FFC0];
	_ =	sdelay $0x7  }
0x5b: {  	[tilespmem:v1+s22+$0x0] =	vst.idx.msk $0xffff, v2;
	v1 =	vld [tilespmem:$0x1FFD0];
	_ =	sdelay $0x7  }
0x5c: {  	[tilespmem:v1+s22+$0x0] =	vst.idx.msk $0xffff, v3;
	v1 =	vld [tilespmem:$0x1FFE0];
	_ =	sdelay $0x7  }
0x5d: {  	[tilespmem:v1+s22+$0x0] =	vst.idx.msk $0xffff, v4  }
0x5e: {  	v1 =	vld [tilespmem:$0x20]  }
0x5f: {  	v2 =	vld [tilespmem:$0x220]  }
0x60: {  	v3 =	vld [tilespmem:$0x420]  }
0x61: {  	v4 =	vld [tilespmem:$0x620];
	_ =	sdelay $0x2  }
0x62: {  	v2 =	vadd.s32 $0x3E8, v2  }
0x63: {  	v5 =	vld [tilespmem:$0x1FFF0];
	v3 =	vadd.s32 $0x3F8, v3  }
0x64: {  	v4 =	vadd.s32 $0x56A, v4;
	_ =	sdelay $0x1  }
0x65: {  	v1 =	vld.idx.msk [tilespmem:v1+s14+$0x0], $0xffff  }
0x66: {  	v2 =	vld.idx.msk [tilespmem:v2+s14+$0x0], $0xffff  }
0x67: {  	v3 =	vld.idx.msk [tilespmem:v3+s14+$0x0], $0xffff  }
0x68: {  	v4 =	vld.idx.msk [tilespmem:v4+s14+$0x0], $0xffff;
	_ =	sdelay $0x1  }
0x69: {  	[tilespmem:v5+s22+$0x0] =	vst.idx.msk $0xffff, v1  }
0x6a: {  	[tilespmem:v9+s22+$0x0] =	vst.idx.msk $0xffff, v2  }
0x6b: {  	[tilespmem:v10+s22+$0x0] =	vst.idx.msk $0xffff, v3  }
0x6c: {  	[tilespmem:v11+s22+$0x0] =	vst.idx.msk $0xffff, v4  }
0x6d: {  	v1 =	vld [tilespmem:$0x30]  }
0x6e: {  	v2 =	vld [tilespmem:$0x230]  }
0x6f: {  	v3 =	vld [tilespmem:$0x430]  }
0x70: {  	v4 =	vld [tilespmem:$0x630];
	_ =	sdelay $0x2  }
0x71: {  	v2 =	vadd.s32 $0x3E8, v2  }
0x72: {  	v3 =	vadd.s32 $0x3F8, v3  }
0x73: {  	v4 =	vadd.s32 $0x56A, v4;
	_ =	sdelay $0x1  }
0x74: {  	v1 =	vld.idx.msk [tilespmem:v1+s14+$0x0], $0xffff  }
0x75: {  	v2 =	vld.idx.msk [tilespmem:v2+s14+$0x0], $0xffff  }
0x76: {  	v3 =	vld.idx.msk [tilespmem:v3+s14+$0x0], $0xffff  }
0x77: {  	v4 =	vld.idx.msk [tilespmem:v4+s14+$0x0], $0xffff;
	_ =	sdelay $0x1  }
0x78: {  	[tilespmem:v12+s22+$0x0] =	vst.idx.msk $0xffff, v1  }
0x79: {  	[tilespmem:v13+s22+$0x0] =	vst.idx.msk $0xffff, v2  }
0x7a: {  	[tilespmem:v14+s22+$0x0] =	vst.idx.msk $0xffff, v3  }
0x7b: {  	[tilespmem:v15+s22+$0x0] =	vst.idx.msk $0xffff, v4  }
0x7c: {  	v1 =	vld [tilespmem:$0x40]  }
0x7d: {  	v2 =	vld [tilespmem:$0x240]  }
0x7e: {  	v3 =	vld [tilespmem:$0x440]  }
0x7f: {  	v4 =	vld [tilespmem:$0x640];
	_ =	sdelay $0x2  }
0x80: {  	v2 =	vadd.s32 $0x3E8, v2  }
0x81: {  	v3 =	vadd.s32 $0x3F8, v3  }
0x82: {  	v4 =	vadd.s32 $0x56A, v4;
	_ =	sdelay $0x1  }
0x83: {  	v1 =	vld.idx.msk [tilespmem:v1+s14+$0x0], $0xffff  }
0x84: {  	v2 =	vld.idx.msk [tilespmem:v2+s14+$0x0], $0xffff  }
0x85: {  	v3 =	vld.idx.msk [tilespmem:v3+s14+$0x0], $0xffff  }
0x86: {  	v4 =	vld.idx.msk [tilespmem:v4+s14+$0x0], $0xffff;
	_ =	sdelay $0x1  }
0x87: {  	[tilespmem:v16+s22+$0x0] =	vst.idx.msk $0xffff, v1  }
0x88: {  	[tilespmem:v17+s22+$0x0] =	vst.idx.msk $0xffff, v2  }
0x89: {  	[tilespmem:v18+s22+$0x0] =	vst.idx.msk $0xffff, v3  }
0x8a: {  	[tilespmem:v19+s22+$0x0] =	vst.idx.msk $0xffff, v4  }
0x8b: {  	v1 =	vld [tilespmem:$0x50]  }
0x8c: {  	v2 =	vld [tilespmem:$0x250]  }
0x8d: {  	v3 =	vld [tilespmem:$0x450]  }
0x8e: {  	v4 =	vld [tilespmem:$0x650];
	_ =	sdelay $0x2  }
0x8f: {  	v2 =	vadd.s32 $0x3E8, v2  }
0x90: {  	v3 =	vadd.s32 $0x3F8, v3  }
0x91: {  	v4 =	vadd.s32 $0x56A, v4;
	_ =	sdelay $0x1  }
0x92: {  	v1 =	vld.idx.msk [tilespmem:v1+s14+$0x0], $0xffff  }
0x93: {  	v2 =	vld.idx.msk [tilespmem:v2+s14+$0x0], $0xffff  }
0x94: {  	v3 =	vld.idx.msk [tilespmem:v3+s14+$0x0], $0xffff  }
0x95: {  	v4 =	vld.idx.msk [tilespmem:v4+s14+$0x0], $0xffff;
	_ =	sdelay $0x1  }
0x96: {  	[tilespmem:v20+s22+$0x0] =	vst.idx.msk $0xffff, v1  }
0x97: {  	[tilespmem:v21+s22+$0x0] =	vst.idx.msk $0xffff, v2  }
0x98: {  	[tilespmem:v22+s22+$0x0] =	vst.idx.msk $0xffff, v3  }
0x99: {  	[tilespmem:v23+s22+$0x0] =	vst.idx.msk $0xffff, v4  }
0x9a: {  	v1 =	vld [tilespmem:$0x60]  }
0x9b: {  	v2 =	vld [tilespmem:$0x260]  }
0x9c: {  	v3 =	vld [tilespmem:$0x460]  }
0x9d: {  	v4 =	vld [tilespmem:$0x660];
	_ =	sdelay $0x2  }
0x9e: {  	v2 =	vadd.s32 $0x3E8, v2  }
0x9f: {  	v3 =	vadd.s32 $0x3F8, v3  }
0xa0: {  	v4 =	vadd.s32 $0x56A, v4;
	_ =	sdelay $0x1  }
0xa1: {  	v1 =	vld.idx.msk [tilespmem:v1+s14+$0x0], $0xffff  }
0xa2: {  	v2 =	vld.idx.msk [tilespmem:v2+s14+$0x0], $0xffff  }
0xa3: {  	v3 =	vld.idx.msk [tilespmem:v3+s14+$0x0], $0xffff  }
0xa4: {  	v4 =	vld.idx.msk [tilespmem:v4+s14+$0x0], $0xffff;
	_ =	sdelay $0x1  }
0xa5: {  	[tilespmem:v24+s22+$0x0] =	vst.idx.msk $0xffff, v1  }
0xa6: {  	[tilespmem:v25+s22+$0x0] =	vst.idx.msk $0xffff, v2  }
0xa7: {  	[tilespmem:v26+s22+$0x0] =	vst.idx.msk $0xffff, v3  }
0xa8: {  	[tilespmem:v27+s22+$0x0] =	vst.idx.msk $0xffff, v4  }
0xa9: {  	v1 =	vld [tilespmem:$0x70]  }
0xaa: {  	v2 =	vld [tilespmem:$0x270]  }
0xab: {  	v3 =	vld [tilespmem:$0x470]  }
0xac: {  	v4 =	vld [tilespmem:$0x670];
	_ =	sdelay $0x2  }
0xad: {  	v2 =	vadd.s32 $0x3E8, v2  }
0xae: {  	v3 =	vadd.s32 $0x3F8, v3  }
0xaf: {  	v4 =	vadd.s32 $0x56A, v4;
	_ =	sdelay $0x1  }
0xb0: {  	v1 =	vld.idx.msk [tilespmem:v1+s14+$0x0], $0xffff  }
0xb1: {  	v2 =	vld.idx.msk [tilespmem:v2+s14+$0x0], $0xffff  }
0xb2: {  	v3 =	vld.idx.msk [tilespmem:v3+s14+$0x0], $0xffff  }
0xb3: {  	v4 =	vld.idx.msk [tilespmem:v4+s14+$0x0], $0xffff;
	_ =	sdelay $0x1  }
0xb4: {  	[tilespmem:v28+s22+$0x0] =	vst.idx.msk $0xffff, v1  }
0xb5: {  	[tilespmem:v29+s22+$0x0] =	vst.idx.msk $0xffff, v2  }
0xb6: {  	[tilespmem:v30+s22+$0x0] =	vst.idx.msk $0xffff, v3  }
0xb7: {  	[tilespmem:v31+s22+$0x0] =	vst.idx.msk $0xffff, v4  }
0xb8: {  	v1 =	vld [tilespmem:$0x80]  }
0xb9: {  	v2 =	vld [tilespmem:$0x280]  }
0xba: {  	v3 =	vld [tilespmem:$0x480]  }
0xbb: {  	v4 =	vld [tilespmem:$0x680];
	_ =	sdelay $0x2  }
0xbc: {  	v2 =	vadd.s32 $0x3E8, v2  }
0xbd: {  	v3 =	vadd.s32 $0x3F8, v3  }
0xbe: {  	v4 =	vadd.s32 $0x56A, v4;
	_ =	sdelay $0x1  }
0xbf: {  	v1 =	vld.idx.msk [tilespmem:v1+s14+$0x0], $0xffff  }
0xc0: {  	v2 =	vld.idx.msk [tilespmem:v2+s14+$0x0], $0xffff  }
0xc1: {  	v3 =	vld.idx.msk [tilespmem:v3+s14+$0x0], $0xffff  }
0xc2: {  	v4 =	vld.idx.msk [tilespmem:v4+s14+$0x0], $0xffff;
	_ =	sdelay $0x1  }
0xc3: {  	[tilespmem:v32+s22+$0x0] =	vst.idx.msk $0xffff, v1  }
0xc4: {  	[tilespmem:v33+s22+$0x0] =	vst.idx.msk $0xffff, v2  }
0xc5: {  	[tilespmem:v34+s22+$0x0] =	vst.idx.msk $0xffff, v3  }
0xc6: {  	[tilespmem:v35+s22+$0x0] =	vst.idx.msk $0xffff, v4  }
0xc7: {  	v1 =	vld [tilespmem:$0x90]  }
0xc8: {  	v2 =	vld [tilespmem:$0x290]  }
0xc9: {  	v3 =	vld [tilespmem:$0x490]  }
0xca: {  	v4 =	vld [tilespmem:$0x690];
	_ =	sdelay $0x2  }
0xcb: {  	v2 =	vadd.s32 $0x3E8, v2  }
0xcc: {  	v3 =	vadd.s32 $0x3F8, v3  }
0xcd: {  	v4 =	vadd.s32 $0x56A, v4;
	_ =	sdelay $0x1  }
0xce: {  	v1 =	vld.idx.msk [tilespmem:v1+s14+$0x0], $0xffff  }
0xcf: {  	v2 =	vld.idx.msk [tilespmem:v2+s14+$0x0], $0xffff  }
0xd0: {  	v3 =	vld.idx.msk [tilespmem:v3+s14+$0x0], $0xffff  }
0xd1: {  	v4 =	vld.idx.msk [tilespmem:v4+s14+$0x0], $0xffff;
	_ =	sdelay $0x1  }
0xd2: {  	[tilespmem:v36+s22+$0x0] =	vst.idx.msk $0xffff, v1  }
0xd3: {  	[tilespmem:v37+s22+$0x0] =	vst.idx.msk $0xffff, v2  }
0xd4: {  	[tilespmem:v38+s22+$0x0] =	vst.idx.msk $0xffff, v3  }
0xd5: {  	[tilespmem:v39+s22+$0x0] =	vst.idx.msk $0xffff, v4  }
0xd6: {  	v1 =	vld [tilespmem:$0xA0]  }
0xd7: {  	v2 =	vld [tilespmem:$0x2A0]  }
0xd8: {  	v3 =	vld [tilespmem:$0x4A0]  }
0xd9: {  	v4 =	vld [tilespmem:$0x6A0];
	_ =	sdelay $0x2  }
0xda: {  	v2 =	vadd.s32 $0x3E8, v2  }
0xdb: {  	v3 =	vadd.s32 $0x3F8, v3  }
0xdc: {  	v4 =	vadd.s32 $0x56A, v4;
	_ =	sdelay $0x1  }
0xdd: {  	v1 =	vld.idx.msk [tilespmem:v1+s14+$0x0], $0xffff  }
0xde: {  	v2 =	vld.idx.msk [tilespmem:v2+s14+$0x0], $0xffff  }
0xdf: {  	v3 =	vld.idx.msk [tilespmem:v3+s14+$0x0], $0xffff  }
0xe0: {  	v4 =	vld.idx.msk [tilespmem:v4+s14+$0x0], $0xffff;
	_ =	sdelay $0x1  }
0xe1: {  	[tilespmem:v40+s22+$0x0] =	vst.idx.msk $0xffff, v1  }
0xe2: {  	[tilespmem:v41+s22+$0x0] =	vst.idx.msk $0xffff, v2  }
0xe3: {  	[tilespmem:v42+s22+$0x0] =	vst.idx.msk $0xffff, v3  }
0xe4: {  	[tilespmem:v43+s22+$0x0] =	vst.idx.msk $0xffff, v4  }
0xe5: {  	v1 =	vld [tilespmem:$0xB0]  }
0xe6: {  	v2 =	vld [tilespmem:$0x2B0]  }
0xe7: {  	v3 =	vld [tilespmem:$0x4B0]  }
0xe8: {  	v4 =	vld [tilespmem:$0x6B0];
	_ =	sdelay $0x2  }
0xe9: {  	v2 =	vadd.s32 $0x3E8, v2  }
0xea: {  	v3 =	vadd.s32 $0x3F8, v3  }
0xeb: {  	v4 =	vadd.s32 $0x56A, v4;
	_ =	sdelay $0x1  }
0xec: {  	v1 =	vld.idx.msk [tilespmem:v1+s14+$0x0], $0xffff  }
0xed: {  	v2 =	vld.idx.msk [tilespmem:v2+s14+$0x0], $0xffff  }
0xee: {  	v3 =	vld.idx.msk [tilespmem:v3+s14+$0x0], $0xffff  }
0xef: {  	v4 =	vld.idx.msk [tilespmem:v4+s14+$0x0], $0xffff;
	_ =	sdelay $0x1  }
0xf0: {  	[tilespmem:v44+s22+$0x0] =	vst.idx.msk $0xffff, v1  }
0xf1: {  	[tilespmem:v45+s22+$0x0] =	vst.idx.msk $0xffff, v2  }
0xf2: {  	[tilespmem:v46+s22+$0x0] =	vst.idx.msk $0xffff, v3  }
0xf3: {  	[tilespmem:v47+s22+$0x0] =	vst.idx.msk $0xffff, v4  }
0xf4: {  	v1 =	vld [tilespmem:$0xC0]  }
0xf5: {  	v2 =	vld [tilespmem:$0x2C0]  }
0xf6: {  	v3 =	vld [tilespmem:$0x4C0]  }
0xf7: {  	v4 =	vld [tilespmem:$0x6C0];
	_ =	sdelay $0x2  }
0xf8: {  	v2 =	vadd.s32 $0x3E8, v2  }
0xf9: {  	v3 =	vadd.s32 $0x3F8, v3  }
0xfa: {  	v4 =	vadd.s32 $0x56A, v4;
	_ =	sdelay $0x1  }
0xfb: {  	v1 =	vld.idx.msk [tilespmem:v1+s14+$0x0], $0xffff  }
0xfc: {  	v2 =	vld.idx.msk [tilespmem:v2+s14+$0x0], $0xffff  }
0xfd: {  	v3 =	vld.idx.msk [tilespmem:v3+s14+$0x0], $0xffff  }
0xfe: {  	v4 =	vld.idx.msk [tilespmem:v4+s14+$0x0], $0xffff;
	_ =	sdelay $0x1  }
0xff: {  	[tilespmem:v48+s22+$0x0] =	vst.idx.msk $0xffff, v1  }
0x100: {  	[tilespmem:v49+s22+$0x0] =	vst.idx.msk $0xffff, v2  }
0x101: {  	[tilespmem:v50+s22+$0x0] =	vst.idx.msk $0xffff, v3  }
0x102: {  	[tilespmem:v51+s22+$0x0] =	vst.idx.msk $0xffff, v4  }
0x103: {  	v1 =	vld [tilespmem:$0xD0]  }
0x104: {  	v2 =	vld [tilespmem:$0x2D0]  }
0x105: {  	v3 =	vld [tilespmem:$0x4D0]  }
0x106: {  	v4 =	vld [tilespmem:$0x6D0];
	_ =	sdelay $0x2  }
0x107: {  	v2 =	vadd.s32 $0x3E8, v2  }
0x108: {  	v3 =	vadd.s32 $0x3F8, v3  }
0x109: {  	v4 =	vadd.s32 $0x56A, v4;
	_ =	sdelay $0x1  }
0x10a: {  	v1 =	vld.idx.msk [tilespmem:v1+s14+$0x0], $0xffff  }
0x10b: {  	v2 =	vld.idx.msk [tilespmem:v2+s14+$0x0], $0xffff  }
0x10c: {  	v3 =	vld.idx.msk [tilespmem:v3+s14+$0x0], $0xffff  }
0x10d: {  	v4 =	vld.idx.msk [tilespmem:v4+s14+$0x0], $0xffff;
	_ =	sdelay $0x1  }
0x10e: {  	[tilespmem:v52+s22+$0x0] =	vst.idx.msk $0xffff, v1  }
0x10f: {  	[tilespmem:v53+s22+$0x0] =	vst.idx.msk $0xffff, v2  }
0x110: {  	[tilespmem:v54+s22+$0x0] =	vst.idx.msk $0xffff, v3  }
0x111: {  	[tilespmem:v55+s22+$0x0] =	vst.idx.msk $0xffff, v4  }
0x112: {  	v1 =	vld [tilespmem:$0xE0]  }
0x113: {  	v2 =	vld [tilespmem:$0x2E0]  }
0x114: {  	v3 =	vld [tilespmem:$0x4E0]  }
0x115: {  	v4 =	vld [tilespmem:$0x6E0];
	_ =	sdelay $0x2  }
0x116: {  	v2 =	vadd.s32 $0x3E8, v2  }
0x117: {  	v3 =	vadd.s32 $0x3F8, v3  }
0x118: {  	v4 =	vadd.s32 $0x56A, v4;
	_ =	sdelay $0x1  }
0x119: {  	v1 =	vld.idx.msk [tilespmem:v1+s14+$0x0], $0xffff  }
0x11a: {  	v2 =	vld.idx.msk [tilespmem:v2+s14+$0x0], $0xffff  }
0x11b: {  	v3 =	vld.idx.msk [tilespmem:v3+s14+$0x0], $0xffff  }
0x11c: {  	v4 =	vld.idx.msk [tilespmem:v4+s14+$0x0], $0xffff;
	_ =	sdelay $0x1  }
0x11d: {  	[tilespmem:v56+s22+$0x0] =	vst.idx.msk $0xffff, v1  }
0x11e: {  	[tilespmem:v57+s22+$0x0] =	vst.idx.msk $0xffff, v2  }
0x11f: {  	[tilespmem:v58+s22+$0x0] =	vst.idx.msk $0xffff, v3  }
0x120: {  	[tilespmem:v59+s22+$0x0] =	vst.idx.msk $0xffff, v4  }
0x121: {  	v1 =	vld [tilespmem:$0xF0]  }
0x122: {  	v2 =	vld [tilespmem:$0x2F0]  }
0x123: {  	v3 =	vld [tilespmem:$0x4F0]  }
0x124: {  	v4 =	vld [tilespmem:$0x6F0];
	_ =	sdelay $0x2  }
0x125: {  	v2 =	vadd.s32 $0x3E8, v2  }
0x126: {  	v3 =	vadd.s32 $0x3F8, v3  }
0x127: {  	v4 =	vadd.s32 $0x56A, v4;
	_ =	sdelay $0x1  }
0x128: {  	v1 =	vld.idx.msk [tilespmem:v1+s14+$0x0], $0xffff  }
0x129: {  	v2 =	vld.idx.msk [tilespmem:v2+s14+$0x0], $0xffff  }
0x12a: {  	v3 =	vld.idx.msk [tilespmem:v3+s14+$0x0], $0xffff  }
0x12b: {  	v4 =	vld.idx.msk [tilespmem:v4+s14+$0x0], $0xffff;
	_ =	sdelay $0x1  }
0x12c: {  	[tilespmem:v60+s22+$0x0] =	vst.idx.msk $0xffff, v1  }
0x12d: {  	[tilespmem:v61+s22+$0x0] =	vst.idx.msk $0xffff, v2  }
0x12e: {  	[tilespmem:v62+s22+$0x0] =	vst.idx.msk $0xffff, v3  }
0x12f: {  	[tilespmem:v63+s22+$0x0] =	vst.idx.msk $0xffff, v4  }
0x130: {  	[hbm4b:s11+s6] =	stream.linear.scatter [tilespmem:s22], [sflag:$0x2], $0x8000, $0x38;
	[tilespmem:$0x10E00] =	vst v63  }
0x131: {  	v1 =	vld [tilespmem:$0x100]  }
0x132: {  	v2 =	vld [tilespmem:$0x300]  }
0x133: {  	v3 =	vld [tilespmem:$0x500]  }
0x134: {  	v4 =	vld [tilespmem:$0x700];
	_ =	sdelay $0x2  }
0x135: {  	v2 =	vadd.s32 $0x3E8, v2  }
0x136: {  	v3 =	vadd.s32 $0x3F8, v3  }
0x137: {  	v4 =	vadd.s32 $0x56A, v4;
	_ =	sdelay $0x1  }
0x138: {  	v5 =	vor.u32 $0x8000, v0;
	v1 =	vld.idx.msk [tilespmem:v1+s14+$0x0], $0xffff  }
0x139: {  	v6 =	vor.u32 $0x8001, v0;
	v2 =	vld.idx.msk [tilespmem:v2+s14+$0x0], $0xffff  }
0x13a: {  	v7 =	vor.u32 $0x8002, v0;
	v3 =	vld.idx.msk [tilespmem:v3+s14+$0x0], $0xffff  }
0x13b: {  	v8 =	vor.u32 $0x8003, v0;
	v4 =	vld.idx.msk [tilespmem:v4+s14+$0x0], $0xffff;
	_ =	sdelay $0x1  }
0x13c: {  	[tilespmem:v5+s22+$0x0] =	vst.idx.msk $0xffff, v1  }
0x13d: {  	[tilespmem:v6+s22+$0x0] =	vst.idx.msk $0xffff, v2  }
0x13e: {  	[tilespmem:v7+s22+$0x0] =	vst.idx.msk $0xffff, v3  }
0x13f: {  	[tilespmem:v8+s22+$0x0] =	vst.idx.msk $0xffff, v4  }
0x140: {  	v1 =	vld [tilespmem:$0x110]  }
0x141: {  	v2 =	vld [tilespmem:$0x310]  }
0x142: {  	v3 =	vld [tilespmem:$0x510]  }
0x143: {  	v4 =	vld [tilespmem:$0x710];
	_ =	sdelay $0x2  }
0x144: {  	v2 =	vadd.s32 $0x3E8, v2  }
0x145: {  	v3 =	vadd.s32 $0x3F8, v3  }
0x146: {  	v4 =	vadd.s32 $0x56A, v4;
	_ =	sdelay $0x1  }
0x147: {  	v5 =	vor.u32 $0x8800, v0;
	v1 =	vld.idx.msk [tilespmem:v1+s14+$0x0], $0xffff  }
0x148: {  	v6 =	vor.u32 $0x8801, v0;
	v2 =	vld.idx.msk [tilespmem:v2+s14+$0x0], $0xffff  }
0x149: {  	v7 =	vor.u32 $0x8802, v0;
	v3 =	vld.idx.msk [tilespmem:v3+s14+$0x0], $0xffff  }
0x14a: {  	v8 =	vor.u32 $0x8803, v0;
	v4 =	vld.idx.msk [tilespmem:v4+s14+$0x0], $0xffff;
	_ =	sdelay $0x1  }
0x14b: {  	[tilespmem:v5+s22+$0x0] =	vst.idx.msk $0xffff, v1  }
0x14c: {  	[tilespmem:v6+s22+$0x0] =	vst.idx.msk $0xffff, v2  }
0x14d: {  	[tilespmem:v7+s22+$0x0] =	vst.idx.msk $0xffff, v3  }
0x14e: {  	[tilespmem:v8+s22+$0x0] =	vst.idx.msk $0xffff, v4  }
0x14f: {  	v1 =	vld [tilespmem:$0x120]  }
0x150: {  	v2 =	vld [tilespmem:$0x320]  }
0x151: {  	v3 =	vld [tilespmem:$0x520]  }
0x152: {  	v4 =	vld [tilespmem:$0x720];
	_ =	sdelay $0x2  }
0x153: {  	v2 =	vadd.s32 $0x3E8, v2  }
0x154: {  	v3 =	vadd.s32 $0x3F8, v3  }
0x155: {  	v4 =	vadd.s32 $0x56A, v4;
	_ =	sdelay $0x1  }
0x156: {  	v5 =	vor.u32 $0x9000, v0;
	v1 =	vld.idx.msk [tilespmem:v1+s14+$0x0], $0xffff  }
0x157: {  	v6 =	vor.u32 $0x9001, v0;
	v2 =	vld.idx.msk [tilespmem:v2+s14+$0x0], $0xffff  }
0x158: {  	v7 =	vor.u32 $0x9002, v0;
	v3 =	vld.idx.msk [tilespmem:v3+s14+$0x0], $0xffff  }
0x159: {  	v8 =	vor.u32 $0x9003, v0;
	v4 =	vld.idx.msk [tilespmem:v4+s14+$0x0], $0xffff;
	_ =	sdelay $0x1  }
0x15a: {  	[tilespmem:v5+s22+$0x0] =	vst.idx.msk $0xffff, v1  }
0x15b: {  	[tilespmem:v6+s22+$0x0] =	vst.idx.msk $0xffff, v2  }
0x15c: {  	[tilespmem:v7+s22+$0x0] =	vst.idx.msk $0xffff, v3  }
0x15d: {  	[tilespmem:v8+s22+$0x0] =	vst.idx.msk $0xffff, v4  }
0x15e: {  	v1 =	vld [tilespmem:$0x130]  }
0x15f: {  	v2 =	vld [tilespmem:$0x330]  }
0x160: {  	v3 =	vld [tilespmem:$0x530]  }
0x161: {  	v4 =	vld [tilespmem:$0x730];
	_ =	sdelay $0x2  }
0x162: {  	v2 =	vadd.s32 $0x3E8, v2  }
0x163: {  	v3 =	vadd.s32 $0x3F8, v3  }
0x164: {  	v4 =	vadd.s32 $0x56A, v4;
	_ =	sdelay $0x1  }
0x165: {  	v5 =	vor.u32 $0x9800, v0;
	v1 =	vld.idx.msk [tilespmem:v1+s14+$0x0], $0xffff  }
0x166: {  	v6 =	vor.u32 $0x9801, v0;
	v2 =	vld.idx.msk [tilespmem:v2+s14+$0x0], $0xffff  }
0x167: {  	v7 =	vor.u32 $0x9802, v0;
	v3 =	vld.idx.msk [tilespmem:v3+s14+$0x0], $0xffff  }
0x168: {  	v8 =	vor.u32 $0x9803, v0;
	v4 =	vld.idx.msk [tilespmem:v4+s14+$0x0], $0xffff;
	_ =	sdelay $0x1  }
0x169: {  	[tilespmem:v5+s22+$0x0] =	vst.idx.msk $0xffff, v1  }
0x16a: {  	[tilespmem:v6+s22+$0x0] =	vst.idx.msk $0xffff, v2  }
0x16b: {  	[tilespmem:v7+s22+$0x0] =	vst.idx.msk $0xffff, v3  }
0x16c: {  	[tilespmem:v8+s22+$0x0] =	vst.idx.msk $0xffff, v4  }
0x16d: {  	v1 =	vld [tilespmem:$0x140]  }
0x16e: {  	v2 =	vld [tilespmem:$0x340]  }
0x16f: {  	v3 =	vld [tilespmem:$0x540]  }
0x170: {  	v4 =	vld [tilespmem:$0x740];
	_ =	sdelay $0x2  }
0x171: {  	v2 =	vadd.s32 $0x3E8, v2  }
0x172: {  	v3 =	vadd.s32 $0x3F8, v3  }
0x173: {  	v4 =	vadd.s32 $0x56A, v4;
	_ =	sdelay $0x1  }
0x174: {  	v5 =	vor.u32 $0xA000, v0;
	v1 =	vld.idx.msk [tilespmem:v1+s14+$0x0], $0xffff  }
0x175: {  	v6 =	vor.u32 $0xA001, v0;
	v2 =	vld.idx.msk [tilespmem:v2+s14+$0x0], $0xffff  }
0x176: {  	v7 =	vor.u32 $0xA002, v0;
	v3 =	vld.idx.msk [tilespmem:v3+s14+$0x0], $0xffff  }
0x177: {  	v8 =	vor.u32 $0xA003, v0;
	v4 =	vld.idx.msk [tilespmem:v4+s14+$0x0], $0xffff;
	_ =	sdelay $0x1  }
0x178: {  	[tilespmem:v5+s22+$0x0] =	vst.idx.msk $0xffff, v1  }
0x179: {  	[tilespmem:v6+s22+$0x0] =	vst.idx.msk $0xffff, v2  }
0x17a: {  	[tilespmem:v7+s22+$0x0] =	vst.idx.msk $0xffff, v3  }
0x17b: {  	[tilespmem:v8+s22+$0x0] =	vst.idx.msk $0xffff, v4  }
0x17c: {  	v1 =	vld [tilespmem:$0x150]  }
0x17d: {  	v2 =	vld [tilespmem:$0x350]  }
0x17e: {  	v3 =	vld [tilespmem:$0x550]  }
0x17f: {  	v4 =	vld [tilespmem:$0x750];
	_ =	sdelay $0x2  }
0x180: {  	v2 =	vadd.s32 $0x3E8, v2  }
0x181: {  	v3 =	vadd.s32 $0x3F8, v3  }
0x182: {  	v4 =	vadd.s32 $0x56A, v4;
	_ =	sdelay $0x1  }
0x183: {  	v5 =	vor.u32 $0xA800, v0;
	v1 =	vld.idx.msk [tilespmem:v1+s14+$0x0], $0xffff  }
0x184: {  	v6 =	vor.u32 $0xA801, v0;
	v2 =	vld.idx.msk [tilespmem:v2+s14+$0x0], $0xffff  }
0x185: {  	v7 =	vor.u32 $0xA802, v0;
	v3 =	vld.idx.msk [tilespmem:v3+s14+$0x0], $0xffff  }
0x186: {  	v8 =	vor.u32 $0xA803, v0;
	v4 =	vld.idx.msk [tilespmem:v4+s14+$0x0], $0xffff;
	_ =	sdelay $0x1  }
0x187: {  	[tilespmem:v5+s22+$0x0] =	vst.idx.msk $0xffff, v1  }
0x188: {  	[tilespmem:v6+s22+$0x0] =	vst.idx.msk $0xffff, v2  }
0x189: {  	[tilespmem:v7+s22+$0x0] =	vst.idx.msk $0xffff, v3  }
0x18a: {  	[tilespmem:v8+s22+$0x0] =	vst.idx.msk $0xffff, v4  }
0x18b: {  	v1 =	vld [tilespmem:$0x160]  }
0x18c: {  	v2 =	vld [tilespmem:$0x360]  }
0x18d: {  	v3 =	vld [tilespmem:$0x560]  }
0x18e: {  	v4 =	vld [tilespmem:$0x760];
	_ =	sdelay $0x2  }
0x18f: {  	v2 =	vadd.s32 $0x3E8, v2  }
0x190: {  	v3 =	vadd.s32 $0x3F8, v3  }
0x191: {  	v4 =	vadd.s32 $0x56A, v4;
	_ =	sdelay $0x1  }
0x192: {  	v5 =	vor.u32 $0xB000, v0;
	v1 =	vld.idx.msk [tilespmem:v1+s14+$0x0], $0xffff  }
0x193: {  	v6 =	vor.u32 $0xB001, v0;
	v2 =	vld.idx.msk [tilespmem:v2+s14+$0x0], $0xffff  }
0x194: {  	v7 =	vor.u32 $0xB002, v0;
	v3 =	vld.idx.msk [tilespmem:v3+s14+$0x0], $0xffff  }
0x195: {  	v8 =	vor.u32 $0xB003, v0;
	v4 =	vld.idx.msk [tilespmem:v4+s14+$0x0], $0xffff;
	_ =	sdelay $0x1  }
0x196: {  	[tilespmem:v5+s22+$0x0] =	vst.idx.msk $0xffff, v1  }
0x197: {  	[tilespmem:v6+s22+$0x0] =	vst.idx.msk $0xffff, v2  }
0x198: {  	[tilespmem:v7+s22+$0x0] =	vst.idx.msk $0xffff, v3  }
0x199: {  	[tilespmem:v8+s22+$0x0] =	vst.idx.msk $0xffff, v4  }
0x19a: {  	v1 =	vld [tilespmem:$0x170]  }
0x19b: {  	v2 =	vld [tilespmem:$0x370]  }
0x19c: {  	v3 =	vld [tilespmem:$0x570]  }
0x19d: {  	v4 =	vld [tilespmem:$0x770];
	_ =	sdelay $0x2  }
0x19e: {  	v2 =	vadd.s32 $0x3E8, v2  }
0x19f: {  	v3 =	vadd.s32 $0x3F8, v3  }
0x1a0: {  	v4 =	vadd.s32 $0x56A, v4;
	_ =	sdelay $0x1  }
0x1a1: {  	v5 =	vor.u32 $0xB800, v0;
	v1 =	vld.idx.msk [tilespmem:v1+s14+$0x0], $0xffff  }
0x1a2: {  	v6 =	vor.u32 $0xB801, v0;
	v2 =	vld.idx.msk [tilespmem:v2+s14+$0x0], $0xffff  }
0x1a3: {  	v7 =	vor.u32 $0xB802, v0;
	v3 =	vld.idx.msk [tilespmem:v3+s14+$0x0], $0xffff  }
0x1a4: {  	v8 =	vor.u32 $0xB803, v0;
	v4 =	vld.idx.msk [tilespmem:v4+s14+$0x0], $0xffff;
	_ =	sdelay $0x1  }
0x1a5: {  	[tilespmem:v5+s22+$0x0] =	vst.idx.msk $0xffff, v1  }
0x1a6: {  	[tilespmem:v6+s22+$0x0] =	vst.idx.msk $0xffff, v2  }
0x1a7: {  	[tilespmem:v7+s22+$0x0] =	vst.idx.msk $0xffff, v3  }
0x1a8: {  	[tilespmem:v8+s22+$0x0] =	vst.idx.msk $0xffff, v4  }
0x1a9: {  	v1 =	vld [tilespmem:$0x180]  }
0x1aa: {  	v2 =	vld [tilespmem:$0x380]  }
0x1ab: {  	v3 =	vld [tilespmem:$0x580]  }
0x1ac: {  	v4 =	vld [tilespmem:$0x780];
	_ =	sdelay $0x2  }
0x1ad: {  	v2 =	vadd.s32 $0x3E8, v2  }
0x1ae: {  	v3 =	vadd.s32 $0x3F8, v3  }
0x1af: {  	v4 =	vadd.s32 $0x56A, v4;
	_ =	sdelay $0x1  }
0x1b0: {  	v5 =	vor.u32 $0xC000, v0;
	v1 =	vld.idx.msk [tilespmem:v1+s14+$0x0], $0xffff  }
0x1b1: {  	v6 =	vor.u32 $0xC001, v0;
	v2 =	vld.idx.msk [tilespmem:v2+s14+$0x0], $0xffff  }
0x1b2: {  	v7 =	vor.u32 $0xC002, v0;
	v3 =	vld.idx.msk [tilespmem:v3+s14+$0x0], $0xffff  }
0x1b3: {  	v8 =	vor.u32 $0xC003, v0;
	v4 =	vld.idx.msk [tilespmem:v4+s14+$0x0], $0xffff;
	_ =	sdelay $0x1  }
0x1b4: {  	[tilespmem:v5+s22+$0x0] =	vst.idx.msk $0xffff, v1  }
0x1b5: {  	[tilespmem:v6+s22+$0x0] =	vst.idx.msk $0xffff, v2  }
0x1b6: {  	[tilespmem:v7+s22+$0x0] =	vst.idx.msk $0xffff, v3  }
0x1b7: {  	[tilespmem:v8+s22+$0x0] =	vst.idx.msk $0xffff, v4  }
0x1b8: {  	v1 =	vld [tilespmem:$0x190]  }
0x1b9: {  	v2 =	vld [tilespmem:$0x390]  }
0x1ba: {  	v3 =	vld [tilespmem:$0x590]  }
0x1bb: {  	v4 =	vld [tilespmem:$0x790];
	_ =	sdelay $0x2  }
0x1bc: {  	v2 =	vadd.s32 $0x3E8, v2  }
0x1bd: {  	v3 =	vadd.s32 $0x3F8, v3  }
0x1be: {  	v4 =	vadd.s32 $0x56A, v4;
	_ =	sdelay $0x1  }
0x1bf: {  	v5 =	vor.u32 $0xC800, v0;
	v1 =	vld.idx.msk [tilespmem:v1+s14+$0x0], $0xffff  }
0x1c0: {  	v6 =	vor.u32 $0xC801, v0;
	v2 =	vld.idx.msk [tilespmem:v2+s14+$0x0], $0xffff  }
0x1c1: {  	v7 =	vor.u32 $0xC802, v0;
	v3 =	vld.idx.msk [tilespmem:v3+s14+$0x0], $0xffff  }
0x1c2: {  	v8 =	vor.u32 $0xC803, v0;
	v4 =	vld.idx.msk [tilespmem:v4+s14+$0x0], $0xffff;
	_ =	sdelay $0x1  }
0x1c3: {  	[tilespmem:v5+s22+$0x0] =	vst.idx.msk $0xffff, v1  }
0x1c4: {  	[tilespmem:v6+s22+$0x0] =	vst.idx.msk $0xffff, v2  }
0x1c5: {  	[tilespmem:v7+s22+$0x0] =	vst.idx.msk $0xffff, v3  }
0x1c6: {  	[tilespmem:v8+s22+$0x0] =	vst.idx.msk $0xffff, v4  }
0x1c7: {  	v1 =	vld [tilespmem:$0x1A0]  }
0x1c8: {  	v2 =	vld [tilespmem:$0x3A0]  }
0x1c9: {  	v3 =	vld [tilespmem:$0x5A0]  }
0x1ca: {  	v4 =	vld [tilespmem:$0x7A0];
	_ =	sdelay $0x2  }
0x1cb: {  	v2 =	vadd.s32 $0x3E8, v2  }
0x1cc: {  	v3 =	vadd.s32 $0x3F8, v3  }
0x1cd: {  	v4 =	vadd.s32 $0x56A, v4;
	_ =	sdelay $0x1  }
0x1ce: {  	v5 =	vor.u32 $0xD000, v0;
	v1 =	vld.idx.msk [tilespmem:v1+s14+$0x0], $0xffff  }
0x1cf: {  	v6 =	vor.u32 $0xD001, v0;
	v2 =	vld.idx.msk [tilespmem:v2+s14+$0x0], $0xffff  }
0x1d0: {  	v7 =	vor.u32 $0xD002, v0;
	v3 =	vld.idx.msk [tilespmem:v3+s14+$0x0], $0xffff  }
0x1d1: {  	v8 =	vor.u32 $0xD003, v0;
	v4 =	vld.idx.msk [tilespmem:v4+s14+$0x0], $0xffff;
	_ =	sdelay $0x1  }
0x1d2: {  	[tilespmem:v5+s22+$0x0] =	vst.idx.msk $0xffff, v1  }
0x1d3: {  	[tilespmem:v6+s22+$0x0] =	vst.idx.msk $0xffff, v2  }
0x1d4: {  	[tilespmem:v7+s22+$0x0] =	vst.idx.msk $0xffff, v3  }
0x1d5: {  	[tilespmem:v8+s22+$0x0] =	vst.idx.msk $0xffff, v4  }
0x1d6: {  	v1 =	vld [tilespmem:$0x1B0]  }
0x1d7: {  	v2 =	vld [tilespmem:$0x3B0]  }
0x1d8: {  	v3 =	vld [tilespmem:$0x5B0]  }
0x1d9: {  	v4 =	vld [tilespmem:$0x7B0];
	_ =	sdelay $0x2  }
0x1da: {  	v2 =	vadd.s32 $0x3E8, v2  }
0x1db: {  	v3 =	vadd.s32 $0x3F8, v3  }
0x1dc: {  	v4 =	vadd.s32 $0x56A, v4;
	_ =	sdelay $0x1  }
0x1dd: {  	v5 =	vor.u32 $0xD800, v0;
	v1 =	vld.idx.msk [tilespmem:v1+s14+$0x0], $0xffff  }
0x1de: {  	v6 =	vor.u32 $0xD801, v0;
	v2 =	vld.idx.msk [tilespmem:v2+s14+$0x0], $0xffff  }
0x1df: {  	v7 =	vor.u32 $0xD802, v0;
	v3 =	vld.idx.msk [tilespmem:v3+s14+$0x0], $0xffff  }
0x1e0: {  	v8 =	vor.u32 $0xD803, v0;
	v4 =	vld.idx.msk [tilespmem:v4+s14+$0x0], $0xffff;
	_ =	sdelay $0x1  }
0x1e1: {  	[tilespmem:v5+s22+$0x0] =	vst.idx.msk $0xffff, v1  }
0x1e2: {  	[tilespmem:v6+s22+$0x0] =	vst.idx.msk $0xffff, v2  }
0x1e3: {  	[tilespmem:v7+s22+$0x0] =	vst.idx.msk $0xffff, v3  }
0x1e4: {  	[tilespmem:v8+s22+$0x0] =	vst.idx.msk $0xffff, v4  }
0x1e5: {  	v1 =	vld [tilespmem:$0x1C0]  }
0x1e6: {  	v2 =	vld [tilespmem:$0x3C0]  }
0x1e7: {  	v3 =	vld [tilespmem:$0x5C0]  }
0x1e8: {  	v4 =	vld [tilespmem:$0x7C0];
	_ =	sdelay $0x2  }
0x1e9: {  	v2 =	vadd.s32 $0x3E8, v2  }
0x1ea: {  	v3 =	vadd.s32 $0x3F8, v3  }
0x1eb: {  	v4 =	vadd.s32 $0x56A, v4;
	_ =	sdelay $0x1  }
0x1ec: {  	v5 =	vor.u32 $0xE000, v0;
	v1 =	vld.idx.msk [tilespmem:v1+s14+$0x0], $0xffff  }
0x1ed: {  	v6 =	vor.u32 $0xE001, v0;
	v2 =	vld.idx.msk [tilespmem:v2+s14+$0x0], $0xffff  }
0x1ee: {  	v7 =	vor.u32 $0xE002, v0;
	v3 =	vld.idx.msk [tilespmem:v3+s14+$0x0], $0xffff  }
0x1ef: {  	v8 =	vor.u32 $0xE003, v0;
	v4 =	vld.idx.msk [tilespmem:v4+s14+$0x0], $0xffff;
	_ =	sdelay $0x1  }
0x1f0: {  	[tilespmem:v5+s22+$0x0] =	vst.idx.msk $0xffff, v1  }
0x1f1: {  	[tilespmem:v6+s22+$0x0] =	vst.idx.msk $0xffff, v2  }
0x1f2: {  	[tilespmem:v7+s22+$0x0] =	vst.idx.msk $0xffff, v3  }
0x1f3: {  	[tilespmem:v8+s22+$0x0] =	vst.idx.msk $0xffff, v4  }
0x1f4: {  	v1 =	vld [tilespmem:$0x1D0]  }
0x1f5: {  	v2 =	vld [tilespmem:$0x3D0]  }
0x1f6: {  	v3 =	vld [tilespmem:$0x5D0]  }
0x1f7: {  	v4 =	vld [tilespmem:$0x7D0];
	_ =	sdelay $0x2  }
0x1f8: {  	v2 =	vadd.s32 $0x3E8, v2  }
0x1f9: {  	v3 =	vadd.s32 $0x3F8, v3  }
0x1fa: {  	v4 =	vadd.s32 $0x56A, v4;
	_ =	sdelay $0x1  }
0x1fb: {  	v5 =	vor.u32 $0xE800, v0;
	v1 =	vld.idx.msk [tilespmem:v1+s14+$0x0], $0xffff  }
0x1fc: {  	v6 =	vor.u32 $0xE801, v0;
	v2 =	vld.idx.msk [tilespmem:v2+s14+$0x0], $0xffff  }
0x1fd: {  	v7 =	vor.u32 $0xE802, v0;
	v3 =	vld.idx.msk [tilespmem:v3+s14+$0x0], $0xffff  }
0x1fe: {  	v8 =	vor.u32 $0xE803, v0;
	v4 =	vld.idx.msk [tilespmem:v4+s14+$0x0], $0xffff;
	_ =	sdelay $0x1  }
0x1ff: {  	[tilespmem:v5+s22+$0x0] =	vst.idx.msk $0xffff, v1  }
0x200: {  	[tilespmem:v6+s22+$0x0] =	vst.idx.msk $0xffff, v2  }
0x201: {  	[tilespmem:v7+s22+$0x0] =	vst.idx.msk $0xffff, v3  }
0x202: {  	[tilespmem:v8+s22+$0x0] =	vst.idx.msk $0xffff, v4  }
0x203: {  	v1 =	vld [tilespmem:$0x1E0]  }
0x204: {  	v2 =	vld [tilespmem:$0x3E0]  }
0x205: {  	v3 =	vld [tilespmem:$0x5E0]  }
0x206: {  	v4 =	vld [tilespmem:$0x7E0];
	_ =	sdelay $0x2  }
0x207: {  	v2 =	vadd.s32 $0x3E8, v2  }
0x208: {  	v3 =	vadd.s32 $0x3F8, v3  }
0x209: {  	v4 =	vadd.s32 $0x56A, v4;
	_ =	sdelay $0x1  }
0x20a: {  	v5 =	vor.u32 $0xF000, v0;
	v1 =	vld.idx.msk [tilespmem:v1+s14+$0x0], $0xffff  }
0x20b: {  	v6 =	vor.u32 $0xF001, v0;
	v2 =	vld.idx.msk [tilespmem:v2+s14+$0x0], $0xffff  }
0x20c: {  	v7 =	vor.u32 $0xF002, v0;
	v3 =	vld.idx.msk [tilespmem:v3+s14+$0x0], $0xffff  }
0x20d: {  	v8 =	vor.u32 $0xF003, v0;
	v4 =	vld.idx.msk [tilespmem:v4+s14+$0x0], $0xffff;
	_ =	sdelay $0x1  }
0x20e: {  	[tilespmem:v5+s22+$0x0] =	vst.idx.msk $0xffff, v1  }
0x20f: {  	[tilespmem:v6+s22+$0x0] =	vst.idx.msk $0xffff, v2  }
0x210: {  	[tilespmem:v7+s22+$0x0] =	vst.idx.msk $0xffff, v3  }
0x211: {  	[tilespmem:v8+s22+$0x0] =	vst.idx.msk $0xffff, v4  }
0x212: {  	v1 =	vld [tilespmem:$0x1F0]  }
0x213: {  	v2 =	vld [tilespmem:$0x3F0]  }
0x214: {  	v3 =	vld [tilespmem:$0x5F0]  }
0x215: {  	v4 =	vld [tilespmem:$0x7F0];
	_ =	sdelay $0x2  }
0x216: {  	v2 =	vadd.s32 $0x3E8, v2  }
0x217: {  	v3 =	vadd.s32 $0x3F8, v3  }
0x218: {  	v4 =	vadd.s32 $0x56A, v4;
	_ =	sdelay $0x1  }
0x219: {  	v5 =	vor.u32 $0xF800, v0;
	v1 =	vld.idx.msk [tilespmem:v1+s14+$0x0], $0xffff  }
0x21a: {  	v6 =	vor.u32 $0xF801, v0;
	v2 =	vld.idx.msk [tilespmem:v2+s14+$0x0], $0xffff  }
0x21b: {  	v7 =	vor.u32 $0xF802, v0;
	v3 =	vld.idx.msk [tilespmem:v3+s14+$0x0], $0xffff  }
0x21c: {  	v8 =	vor.u32 $0xF803, v0;
	v4 =	vld.idx.msk [tilespmem:v4+s14+$0x0], $0xffff;
	_ =	sdelay $0x1  }
0x21d: {  	[tilespmem:v5+s22+$0x0] =	vst.idx.msk $0xffff, v1  }
0x21e: {  	[tilespmem:v6+s22+$0x0] =	vst.idx.msk $0xffff, v2  }
0x21f: {  	[tilespmem:v7+s22+$0x0] =	vst.idx.msk $0xffff, v3  }
0x220: {  	[tilespmem:v8+s22+$0x0] =	vst.idx.msk $0xffff, v4  }
0x221: {  	[hbm4b:s12+s6] =	stream.linear.scatter [tilespmem:s23], [sflag:$0x2], $0x8000, $0x38;
	[tilespmem:$0x10E00] =	vst v63  }
0x222: {  	p0 =	sne.s32 s13, $0x1;
	_ =	swait.ge [sflag:s24], $0x8000  }
.Ltmp0:
0x223: {  	[sflag:s24] =	ssyncset.done $0x0;
	(pc) =	sbr.rel @p0 .LBB2_1-.Ltmp0, $4  }
0x224: {  	[sflag:s24] =	ssyncadd.s32 $0xFFFF8000  }
0x225: {  	_ =	swait.ge [sflag:s24], $0x8000  }
0x226: {  	[sflag:s24] =	ssyncset.done $0x0  }
0x227: {  	s13 =	sadd.s32 $0xFFFFFFFF, s13;
	[sflag:s24] =	ssyncadd.s32 $0xFFFF8000  }
0x228: {  	_ =	sfence.sel $0x180000  }
0x229: {  	[bflag:$0x0] =	sbarrier.arrive $0xFFFF  }
0x22a: {  	p0 =	sne.s32 s5, $0x0;
	_ =	strace $0x90000047  }
0x22b: {  	s0 =	sadd.s32 @!p0 $0x100000, s4;
	[bflag:$0x2] =	sbarrier.arrive $0xFFFF  }
0x22c: {  	[sflag:s0] =	ssyncadd.tile.s32 @!p0 $0x1;
	_ =	shalt  }
.Lfunc_end2:
_tile_overlayer_lowered:
.L_overlay_start_2:
0x22d: {  	(tag) =	ssettag $0x2  }
0x22e: {  	s0 =	rddreg [dreg:$0x0];
	s2 =	stileid.u32  }
0x22f: {  	s1 =	rddreg [dreg:$0x1];
	p0 =	sne.s32 s2, $0x0  }
0x230: {  	s3 =	rddreg [dreg:$0x2];
	[bflag:$0x3] =	sbarrier.arrive $0xFFFF;
	s2 =	simm.s32 @!p0 $0x1C03  }
0x231: {  	[timem:s3], [sflag:s2] =	dma.local @!p0 [hbm:s0], s1  }
0x232: {  	s0 =	simm.s32 @!p0 $0x3  }
0x233: {  	_ =	swait.ge @!p0 [sflag:s0], s1  }
0x234: {  	s1 =	ssub.s32 @!p0 $0x0, s1;
	[sflag:s0] =	ssyncset.done @!p0 $0x0  }
0x235: {  	[sflag:s0] =	ssyncadd.s32 @!p0 s1  }
0x236: {  	[bflag:$0x3] =	sbarrier.arrive $0xFFFF  }
0x237: {  	_ =	shalt  }

</sc_bundles>
